<compile_context>
chip_gen: v7x
topology: tpu7x:2x2x1
jax: 0.10.2.dev20260603
libtpu: 0.0.44.dev20260713+nightly
codegen_flags: <defaults>
</compile_context>

<pallas_src>
import functools

import jax
import jax.numpy as jnp
from jax import lax
from jax.experimental import pallas as pl
from jax.experimental.pallas import tpu as pltpu
from jax.experimental.pallas import tpu_sc as plsc

NC = 2
NS = 16
NW = NC * NS

CHUNK = 1024
VG = 2048


def _permute_idx(idx_raw, idx_p):
    q = CHUNK // 4

    def blk(b, _):
        lane = lax.iota(jnp.int32, 16) + 16 * b
        src = (lane & 3) * q + (lane >> 2)
        idx_p[pl.ds(16 * b, 16)] = plsc.load_gather(idx_raw, [src])
        return ()

    lax.fori_loop(0, CHUNK // 16, blk, ())


def _gather_body(idx_hbm, table_hbm, out_hbm,
                 idx_r0, idx_r1, idx_p0, idx_p1, rows0, rows1,
                 s_i0, s_i1, s_g, s_o0, s_o1,
                 *, b_per_w, n_chunks):
    wid = lax.axis_index("s") * NC + lax.axis_index("c")
    base = wid * b_per_w
    n_pairs = n_chunks // 2
    bufs = (
        (idx_r0, idx_p0, rows0, s_i0, s_o0),
        (idx_r1, idx_p1, rows1, s_i1, s_o1),
    )

    def process(c, b, wait_out, prefetch, permute_next):
        idx_r, idx_p, rows_v, s_i, s_o = bufs[b]
        idx_rn, idx_pn, _, s_in, _ = bufs[1 - b]
        off = base + c * CHUNK
        if wait_out:
            pltpu.make_async_copy(rows_v, out_hbm.at[pl.ds(off, CHUNK)], s_o).wait()
        g = pltpu.async_copy(table_hbm.at[idx_p], rows_v, s_g)
        if prefetch:
            pltpu.async_copy(idx_hbm.at[pl.ds(off + 2 * CHUNK, CHUNK)], idx_r, s_i)
        if permute_next:
            pltpu.make_async_copy(
                idx_hbm.at[pl.ds(off + CHUNK, CHUNK)], idx_rn, s_in
            ).wait()
            _permute_idx(idx_rn, idx_pn)
        g.wait()
        pltpu.async_copy(rows_v, out_hbm.at[pl.ds(off, CHUNK)], s_o)

    pltpu.async_copy(idx_hbm.at[pl.ds(base, CHUNK)], idx_r0, s_i0)
    pltpu.async_copy(idx_hbm.at[pl.ds(base + CHUNK, CHUNK)], idx_r1, s_i1)
    pltpu.make_async_copy(idx_hbm.at[pl.ds(base, CHUNK)], idx_r0, s_i0).wait()
    _permute_idx(idx_r0, idx_p0)

    process(0, 0, False, True, True)
    process(1, 1, False, True, True)

    def pair(p, _):
        c = 2 * p
        process(c, 0, True, True, True)
        process(c + 1, 1, True, True, True)
        return ()

    lax.fori_loop(1, n_pairs - 1, pair, ())

    process(n_chunks - 2, 0, True, False, True)
    process(n_chunks - 1, 1, True, False, False)

    tail = base + (n_chunks - 2) * CHUNK
    pltpu.make_async_copy(rows0, out_hbm.at[pl.ds(tail, CHUNK)], s_o0).wait()
    pltpu.make_async_copy(rows1, out_hbm.at[pl.ds(tail + CHUNK, CHUNK)], s_o1).wait()


def _tab_tr_body(in0, in1, in2, in3, tail_ref, out_ref):
    i = pl.program_id(0)
    last = pl.num_programs(0) - 1
    nt = tail_ref.shape[0]

    @pl.when(i != last)
    def _banded():
        x = jnp.concatenate([r[...] for r in (in0, in1, in2, in3)], axis=0)
        out_ref[...] = x.T

    @pl.when(i == last)
    def _tail():
        out_ref[0:nt, :] = tail_ref[...]


def _out_tr_body(in_ref, out_ref):
    nc = in_ref.shape[0] * 4 // CHUNK
    xt = in_ref[...].T
    q = CHUNK // 4
    out_ref[...] = jnp.concatenate(
        [
            xt[32 * j:32 * (j + 1), q * c:q * (c + 1)]
            for c in range(nc)
            for j in range(4)
        ],
        axis=1,
    )


def kernel(x_data, table):
    (B,) = x_data.shape
    V, D = table.shape
    assert D == 32 and B % (NW * CHUNK) == 0 and CHUNK % 512 == 0
    b_per_w = B // NW
    n_chunks = b_per_w // CHUNK
    assert n_chunks % 2 == 0 and n_chunks >= 6

    ngroups = V // (4 * VG)
    vb = ngroups * 4 * VG
    ntail = V - vb
    ntail128 = ntail * D // 128
    nb = ngroups + 1
    vp = nb * 4 * VG
    max_blk = V // VG - 1

    tableT = table.T
    tail128 = table[vb:, :].reshape(ntail128, 128)
    table2 = pl.pallas_call(
        _tab_tr_body,
        grid=(nb,),
        in_specs=[
            pl.BlockSpec(
                (D, VG),
                functools.partial(
                    lambda k, i: (0, jnp.minimum(4 * i + k, max_blk)), k
                ),
            )
            for k in range(4)
        ]
        + [pl.BlockSpec((ntail128, 128), lambda i: (0, 0))],
        out_specs=pl.BlockSpec((VG, 128), lambda i: (i, 0)),
        out_shape=jax.ShapeDtypeStruct((vp // 4, 128), jnp.float32),
    )(tableT, tableT, tableT, tableT, tail128)
    table_rm = table2.reshape(vp, D)

    v = x_data.astype(jnp.int32)
    banded = ((v >> 13) << 13) + ((v & (VG - 1)) << 2) + ((v >> 11) & 3)
    x_p = jnp.where(v < vb, banded, v)

    mesh = plsc.VectorSubcoreMesh(core_axis_name="c", subcore_axis_name="s")
    gather = functools.partial(_gather_body, b_per_w=b_per_w, n_chunks=n_chunks)
    run = pl.kernel(
        gather,
        out_type=jax.ShapeDtypeStruct((B, D), jnp.float32),
        mesh=mesh,
        scratch_types=[
            pltpu.VMEM((CHUNK,), jnp.int32),
            pltpu.VMEM((CHUNK,), jnp.int32),
            pltpu.VMEM((CHUNK,), jnp.int32),
            pltpu.VMEM((CHUNK,), jnp.int32),
            pltpu.VMEM((CHUNK, D), jnp.float32),
            pltpu.VMEM((CHUNK, D), jnp.float32),
            pltpu.SemaphoreType.DMA,
            pltpu.SemaphoreType.DMA,
            pltpu.SemaphoreType.DMA,
            pltpu.SemaphoreType.DMA,
            pltpu.SemaphoreType.DMA,
        ],
        compiler_params=pltpu.CompilerParams(
            use_tc_tiling_on_sc=False, needs_layout_passes=False
        ),
    )
    out2 = run(x_p, table_rm)

    BF = 50
    outT = pl.pallas_call(
        _out_tr_body,
        grid=(B // (BF * CHUNK),),
        in_specs=[pl.BlockSpec((BF * CHUNK // 4, 128), lambda i: (i, 0))],
        out_specs=pl.BlockSpec((D, BF * CHUNK), lambda i: (0, i)),
        out_shape=jax.ShapeDtypeStruct((D, B), jnp.float32),
    )(out2.reshape(B // 4, 128))
    return outT.T

# --- scband reference (transcript-rebuilt; emitter-appended) ---
"""Pipeline reference for scband-packed-embedding-18803366822400 (READ-ONLY COPY).

The authoritative reference and input builder live on the scoring server;
editing this copy changes nothing except your own understanding.
"""

import jax, jax.numpy as jnp
import numpy as np

NUM_EMBEDDINGS = 1000000
EMBEDDING_DIM = 32
TOTAL_TOKENS = 1638400


def setup_inputs(seed: int = 0) -> dict:
    key = jax.random.key(seed)
    k1, k2 = jax.random.split(key)
    # PackedSequence.data: flat int indices over all packed timesteps
    x_data = jax.random.randint(k1, (TOTAL_TOKENS,), 0, NUM_EMBEDDINGS)
    # Learned embedding table (nn.Embedding weight), N(0,1) init like torch default
    table = jax.random.normal(k2, (NUM_EMBEDDINGS, EMBEDDING_DIM), dtype=jnp.float32)
    return {"x_data": x_data, "table": table}


def reference(x_data, table):
    # PackedEmbedding.forward: embedding lookup on the packed .data tensor.
    # batch_sizes / sorted_indices / unsorted_indices are passed through
    # untouched, so the core computation is exactly this gather.
    embedding = jnp.take(table, x_data, axis=0)
    return embedding

if __name__ == "__main__":
    import jax
    _d = setup_inputs()
    print(jax.jit(kernel)(*tuple(_d.values())))

</pallas_src>

<mosaic_0001>
#map = affine_map<(d0, d1) -> (0)>
#map1 = affine_map<(d0, d1) -> (0, 0)>
module attributes {stable_mosaic.version = 14 : i64} {
  func.func @_gather_body(%arg0: i32, %arg1: i32, %arg2: memref<1638400xi32, #tpu.memory_space<hbm>>, %arg3: memref<1007616x32xf32, #tpu.memory_space<hbm>>, %arg4: memref<1638400x32xf32, #tpu.memory_space<hbm>>, %arg5: memref<1024xi32, #tpu.memory_space<vmem>>, %arg6: memref<1024xi32, #tpu.memory_space<vmem>>, %arg7: memref<1024xi32, #tpu.memory_space<vmem>>, %arg8: memref<1024xi32, #tpu.memory_space<vmem>>, %arg9: memref<1024x32xf32, #tpu.memory_space<vmem>>, %arg10: memref<1024x32xf32, #tpu.memory_space<vmem>>, %arg11: memref<!tpu.dma_semaphore, #tpu.memory_space<semaphore_mem>>, %arg12: memref<!tpu.dma_semaphore, #tpu.memory_space<semaphore_mem>>, %arg13: memref<!tpu.dma_semaphore, #tpu.memory_space<semaphore_mem>>, %arg14: memref<!tpu.dma_semaphore, #tpu.memory_space<semaphore_mem>>, %arg15: memref<!tpu.dma_semaphore, #tpu.memory_space<semaphore_mem>>) attributes {dimension_semantics = [#tpu.dimension_semantics<core_parallel>, #tpu.dimension_semantics<subcore_parallel>], iteration_bounds = array<i64: 2, 16>, scalar_prefetch = 0 : i64, scratch_operands = 11 : i64, tpu.core_type = #tpu.core_type<sc_vector_subcore>, window_params = [{transform_indices = #map}, {transform_indices = #map1}, {transform_indices = #map1}]} {
    %mul3A = arith.constant 2 : i32
    %mul3A_0 = arith.muli %arg1, %mul3A : i32
    %add3A = arith.addi %mul3A_0, %arg0 : i32
    %mul3A_1 = arith.constant 51200 : i32
    %mul3A_2 = arith.muli %add3A, %mul3A_1 : i32
    %dma_start3A = tpu.memref_slice %arg2[%mul3A_2] : memref<1638400xi32, #tpu.memory_space<hbm>> -> memref<1024xi32, #tpu.memory_space<hbm>>
    %dma_start3A_3 = tpu.memref_slice %arg2[%mul3A_2] : memref<1638400xi32, #tpu.memory_space<hbm>> -> memref<1024xi32, #tpu.memory_space<hbm>>
    tpu.enqueue_dma source(%dma_start3A_3 : memref<1024xi32, #tpu.memory_space<hbm>>) target(%arg5 : memref<1024xi32, #tpu.memory_space<vmem>>) target_semaphore(%arg11 : memref<!tpu.dma_semaphore, #tpu.memory_space<semaphore_mem>>)
    %add3A_4 = arith.constant 1024 : i32
    %add3A_5 = arith.addi %mul3A_2, %add3A_4 : i32
    %dma_start3A_6 = tpu.memref_slice %arg2[%add3A_5] : memref<1638400xi32, #tpu.memory_space<hbm>> -> memref<1024xi32, #tpu.memory_space<hbm>>
    %dma_start3A_7 = tpu.memref_slice %arg2[%add3A_5] : memref<1638400xi32, #tpu.memory_space<hbm>> -> memref<1024xi32, #tpu.memory_space<hbm>>
    tpu.enqueue_dma source(%dma_start3A_7 : memref<1024xi32, #tpu.memory_space<hbm>>) target(%arg6 : memref<1024xi32, #tpu.memory_space<vmem>>) target_semaphore(%arg12 : memref<!tpu.dma_semaphore, #tpu.memory_space<semaphore_mem>>)
    %dma_wait3A = tpu.memref_slice %arg2[%mul3A_2] : memref<1638400xi32, #tpu.memory_space<hbm>> -> memref<1024xi32, #tpu.memory_space<hbm>>
    %dma_wait3A_8 = tpu.memref_slice %arg2[%mul3A_2] : memref<1638400xi32, #tpu.memory_space<hbm>> -> memref<1024xi32, #tpu.memory_space<hbm>>
    tpu.wait_dma2 semaphore(%arg11 : memref<!tpu.dma_semaphore, #tpu.memory_space<semaphore_mem>>) src(%dma_wait3A_8 : memref<1024xi32, #tpu.memory_space<hbm>>) dst(%arg5 : memref<1024xi32, #tpu.memory_space<vmem>>)
    %scan3A = arith.constant 0 : i32
    %scan3A_9 = arith.constant 64 : i32
    %scan3A_10 = arith.addi %scan3A, %scan3A_9 : i32
    %scan3A_11 = arith.constant 1 : i32
    scf.for %scan3A_121 = %scan3A to %scan3A_10 step %scan3A_11  : i32 {
      %iota3A = tpu.iota {dimensions = array<i32: 0>} : vector<16xi32>
      %mul3A_122 = arith.constant 16 : i32
      %mul3A_123 = arith.muli %mul3A_122, %scan3A_121 : i32
      %add3A_124 = vector.broadcast %mul3A_123 : i32 to vector<16xi32>
      %add3A_125 = arith.addi %iota3A, %add3A_124 : vector<16xi32>
      %and3A = arith.constant 3 : i32
      %and3A_126 = vector.broadcast %and3A : i32 to vector<16xi32>
      %and3A_127 = arith.andi %add3A_125, %and3A_126 : vector<16xi32>
      %mul3A_128 = arith.constant 256 : i32
      %mul3A_129 = vector.broadcast %mul3A_128 : i32 to vector<16xi32>
      %mul3A_130 = arith.muli %and3A_127, %mul3A_129 : vector<16xi32>
      %shift_right_arithmetic3A = arith.constant 2 : i32
      %shift_right_arithmetic3A_131 = vector.broadcast %shift_right_arithmetic3A : i32 to vector<16xi32>
      %shift_right_arithmetic3A_132 = arith.shrsi %add3A_125, %shift_right_arithmetic3A_131 : vector<16xi32>
      %add3A_133 = arith.addi %mul3A_130, %shift_right_arithmetic3A_132 : vector<16xi32>
      %gather3A = tpu.vector_load_idx %arg5[%add3A_133] : memref<1024xi32, #tpu.memory_space<vmem>>[vector<16xi32>], vector<16xi32>,
      %mul3A_134 = arith.constant 16 : i32
      %mul3A_135 = arith.muli %mul3A_134, %scan3A_121 : i32
      %swap3A = arith.index_cast %mul3A_135 : i32 to index
      %swap3A_136 = tpu.vector_load %arg7[%swap3A] {strides = array<i32>} : memref<1024xi32, #tpu.memory_space<vmem>>, vector<16xi32>,
      tpu.vector_store %arg7[%swap3A], %gather3A {strides = array<i32>} : memref<1024xi32, #tpu.memory_space<vmem>>, vector<16xi32>,
    }
    %scan3A_12 = arith.constant 64 : i32
    %add3A_13 = arith.constant 0 : i32
    %add3A_14 = arith.addi %mul3A_2, %add3A_13 : i32
    %dma_start3A_15 = arith.constant 0 : i32
    %dma_start3A_16 = arith.constant 0 : i32
    %dma_start3A_17 = tpu.memref_slice %arg3[%dma_start3A_15, %dma_start3A_16] : memref<1007616x32xf32, #tpu.memory_space<hbm>> -> memref<1007616x32xf32, #tpu.memory_space<hbm>>
    tpu.enqueue_indirect_dma source(%dma_start3A_17 : memref<1007616x32xf32, #tpu.memory_space<hbm>>) target(%arg9 : memref<1024x32xf32, #tpu.memory_space<vmem>>) offsets(%arg7 : memref<1024xi32, #tpu.memory_space<vmem>>) semaphore(%arg13 : memref<!tpu.dma_semaphore, #tpu.memory_space<semaphore_mem>>)
    %add3A_18 = arith.constant 2048 : i32
    %add3A_19 = arith.addi %add3A_14, %add3A_18 : i32
    %dma_start3A_20 = tpu.memref_slice %arg2[%add3A_19] : memref<1638400xi32, #tpu.memory_space<hbm>> -> memref<1024xi32, #tpu.memory_space<hbm>>
    %dma_start3A_21 = tpu.memref_slice %arg2[%add3A_19] : memref<1638400xi32, #tpu.memory_space<hbm>> -> memref<1024xi32, #tpu.memory_space<hbm>>
    tpu.enqueue_dma source(%dma_start3A_21 : memref<1024xi32, #tpu.memory_space<hbm>>) target(%arg5 : memref<1024xi32, #tpu.memory_space<vmem>>) target_semaphore(%arg11 : memref<!tpu.dma_semaphore, #tpu.memory_space<semaphore_mem>>)
    %add3A_22 = arith.constant 1024 : i32
    %add3A_23 = arith.addi %add3A_14, %add3A_22 : i32
    %dma_wait3A_24 = tpu.memref_slice %arg2[%add3A_23] : memref<1638400xi32, #tpu.memory_space<hbm>> -> memref<1024xi32, #tpu.memory_space<hbm>>
    %dma_wait3A_25 = tpu.memref_slice %arg2[%add3A_23] : memref<1638400xi32, #tpu.memory_space<hbm>> -> memref<1024xi32, #tpu.memory_space<hbm>>
    tpu.wait_dma2 semaphore(%arg12 : memref<!tpu.dma_semaphore, #tpu.memory_space<semaphore_mem>>) src(%dma_wait3A_25 : memref<1024xi32, #tpu.memory_space<hbm>>) dst(%arg6 : memref<1024xi32, #tpu.memory_space<vmem>>)
    %scan3A_26 = arith.constant 0 : i32
    %scan3A_27 = arith.constant 64 : i32
    %scan3A_28 = arith.addi %scan3A_26, %scan3A_27 : i32
    %scan3A_29 = arith.constant 1 : i32
    scf.for %scan3A_121 = %scan3A_26 to %scan3A_28 step %scan3A_29  : i32 {
      %iota3A = tpu.iota {dimensions = array<i32: 0>} : vector<16xi32>
      %mul3A_122 = arith.constant 16 : i32
      %mul3A_123 = arith.muli %mul3A_122, %scan3A_121 : i32
      %add3A_124 = vector.broadcast %mul3A_123 : i32 to vector<16xi32>
      %add3A_125 = arith.addi %iota3A, %add3A_124 : vector<16xi32>
      %and3A = arith.constant 3 : i32
      %and3A_126 = vector.broadcast %and3A : i32 to vector<16xi32>
      %and3A_127 = arith.andi %add3A_125, %and3A_126 : vector<16xi32>
      %mul3A_128 = arith.constant 256 : i32
      %mul3A_129 = vector.broadcast %mul3A_128 : i32 to vector<16xi32>
      %mul3A_130 = arith.muli %and3A_127, %mul3A_129 : vector<16xi32>
      %shift_right_arithmetic3A = arith.constant 2 : i32
      %shift_right_arithmetic3A_131 = vector.broadcast %shift_right_arithmetic3A : i32 to vector<16xi32>
      %shift_right_arithmetic3A_132 = arith.shrsi %add3A_125, %shift_right_arithmetic3A_131 : vector<16xi32>
      %add3A_133 = arith.addi %mul3A_130, %shift_right_arithmetic3A_132 : vector<16xi32>
      %gather3A = tpu.vector_load_idx %arg6[%add3A_133] : memref<1024xi32, #tpu.memory_space<vmem>>[vector<16xi32>], vector<16xi32>,
      %mul3A_134 = arith.constant 16 : i32
      %mul3A_135 = arith.muli %mul3A_134, %scan3A_121 : i32
      %swap3A = arith.index_cast %mul3A_135 : i32 to index
      %swap3A_136 = tpu.vector_load %arg8[%swap3A] {strides = array<i32>} : memref<1024xi32, #tpu.memory_space<vmem>>, vector<16xi32>,
      tpu.vector_store %arg8[%swap3A], %gather3A {strides = array<i32>} : memref<1024xi32, #tpu.memory_space<vmem>>, vector<16xi32>,
    }
    %scan3A_30 = arith.constant 64 : i32
    %dma_wait3A_31 = arith.constant 0 : i32
    %dma_wait3A_32 = arith.constant 0 : i32
    %dma_wait3A_33 = tpu.memref_slice %arg3[%dma_wait3A_31, %dma_wait3A_32] : memref<1007616x32xf32, #tpu.memory_space<hbm>> -> memref<1007616x32xf32, #tpu.memory_space<hbm>>
    tpu.wait_indirect_dma semaphore(%arg13 : memref<!tpu.dma_semaphore, #tpu.memory_space<semaphore_mem>>) src(%dma_wait3A_33 : memref<1007616x32xf32, #tpu.memory_space<hbm>>) dst(%arg9 : memref<1024x32xf32, #tpu.memory_space<vmem>>)
    %dma_start3A_34 = arith.constant 0 : i32
    %dma_start3A_35 = tpu.memref_slice %arg4[%add3A_14, %dma_start3A_34] : memref<1638400x32xf32, #tpu.memory_space<hbm>> -> memref<1024x32xf32, #tpu.memory_space<hbm>>
    %dma_start3A_36 = arith.constant 0 : i32
    %dma_start3A_37 = tpu.memref_slice %arg4[%add3A_14, %dma_start3A_36] : memref<1638400x32xf32, #tpu.memory_space<hbm>> -> memref<1024x32xf32, #tpu.memory_space<hbm>>
    tpu.enqueue_dma source(%arg9 : memref<1024x32xf32, #tpu.memory_space<vmem>>) target(%dma_start3A_37 : memref<1024x32xf32, #tpu.memory_space<hbm>>) target_semaphore(%arg14 : memref<!tpu.dma_semaphore, #tpu.memory_space<semaphore_mem>>)
    %add3A_38 = arith.constant 1024 : i32
    %add3A_39 = arith.addi %mul3A_2, %add3A_38 : i32
    %dma_start3A_40 = arith.constant 0 : i32
    %dma_start3A_41 = arith.constant 0 : i32
    %dma_start3A_42 = tpu.memref_slice %arg3[%dma_start3A_40, %dma_start3A_41] : memref<1007616x32xf32, #tpu.memory_space<hbm>> -> memref<1007616x32xf32, #tpu.memory_space<hbm>>
    tpu.enqueue_indirect_dma source(%dma_start3A_42 : memref<1007616x32xf32, #tpu.memory_space<hbm>>) target(%arg10 : memref<1024x32xf32, #tpu.memory_space<vmem>>) offsets(%arg8 : memref<1024xi32, #tpu.memory_space<vmem>>) semaphore(%arg13 : memref<!tpu.dma_semaphore, #tpu.memory_space<semaphore_mem>>)
    %add3A_43 = arith.constant 2048 : i32
    %add3A_44 = arith.addi %add3A_39, %add3A_43 : i32
    %dma_start3A_45 = tpu.memref_slice %arg2[%add3A_44] : memref<1638400xi32, #tpu.memory_space<hbm>> -> memref<1024xi32, #tpu.memory_space<hbm>>
    %dma_start3A_46 = tpu.memref_slice %arg2[%add3A_44] : memref<1638400xi32, #tpu.memory_space<hbm>> -> memref<1024xi32, #tpu.memory_space<hbm>>
    tpu.enqueue_dma source(%dma_start3A_46 : memref<1024xi32, #tpu.memory_space<hbm>>) target(%arg6 : memref<1024xi32, #tpu.memory_space<vmem>>) target_semaphore(%arg12 : memref<!tpu.dma_semaphore, #tpu.memory_space<semaphore_mem>>)
    %add3A_47 = arith.constant 1024 : i32
    %add3A_48 = arith.addi %add3A_39, %add3A_47 : i32
    %dma_wait3A_49 = tpu.memref_slice %arg2[%add3A_48] : memref<1638400xi32, #tpu.memory_space<hbm>> -> memref<1024xi32, #tpu.memory_space<hbm>>
    %dma_wait3A_50 = tpu.memref_slice %arg2[%add3A_48] : memref<1638400xi32, #tpu.memory_space<hbm>> -> memref<1024xi32, #tpu.memory_space<hbm>>
    tpu.wait_dma2 semaphore(%arg11 : memref<!tpu.dma_semaphore, #tpu.memory_space<semaphore_mem>>) src(%dma_wait3A_50 : memref<1024xi32, #tpu.memory_space<hbm>>) dst(%arg5 : memref<1024xi32, #tpu.memory_space<vmem>>)
    %scan3A_51 = arith.constant 0 : i32
    %scan3A_52 = arith.constant 64 : i32
    %scan3A_53 = arith.addi %scan3A_51, %scan3A_52 : i32
    %scan3A_54 = arith.constant 1 : i32
    scf.for %scan3A_121 = %scan3A_51 to %scan3A_53 step %scan3A_54  : i32 {
      %iota3A = tpu.iota {dimensions = array<i32: 0>} : vector<16xi32>
      %mul3A_122 = arith.constant 16 : i32
      %mul3A_123 = arith.muli %mul3A_122, %scan3A_121 : i32
      %add3A_124 = vector.broadcast %mul3A_123 : i32 to vector<16xi32>
      %add3A_125 = arith.addi %iota3A, %add3A_124 : vector<16xi32>
      %and3A = arith.constant 3 : i32
      %and3A_126 = vector.broadcast %and3A : i32 to vector<16xi32>
      %and3A_127 = arith.andi %add3A_125, %and3A_126 : vector<16xi32>
      %mul3A_128 = arith.constant 256 : i32
      %mul3A_129 = vector.broadcast %mul3A_128 : i32 to vector<16xi32>
      %mul3A_130 = arith.muli %and3A_127, %mul3A_129 : vector<16xi32>
      %shift_right_arithmetic3A = arith.constant 2 : i32
      %shift_right_arithmetic3A_131 = vector.broadcast %shift_right_arithmetic3A : i32 to vector<16xi32>
      %shift_right_arithmetic3A_132 = arith.shrsi %add3A_125, %shift_right_arithmetic3A_131 : vector<16xi32>
      %add3A_133 = arith.addi %mul3A_130, %shift_right_arithmetic3A_132 : vector<16xi32>
      %gather3A = tpu.vector_load_idx %arg5[%add3A_133] : memref<1024xi32, #tpu.memory_space<vmem>>[vector<16xi32>], vector<16xi32>,
      %mul3A_134 = arith.constant 16 : i32
      %mul3A_135 = arith.muli %mul3A_134, %scan3A_121 : i32
      %swap3A = arith.index_cast %mul3A_135 : i32 to index
      %swap3A_136 = tpu.vector_load %arg7[%swap3A] {strides = array<i32>} : memref<1024xi32, #tpu.memory_space<vmem>>, vector<16xi32>,
      tpu.vector_store %arg7[%swap3A], %gather3A {strides = array<i32>} : memref<1024xi32, #tpu.memory_space<vmem>>, vector<16xi32>,
    }
    %scan3A_55 = arith.constant 64 : i32
    %dma_wait3A_56 = arith.constant 0 : i32
    %dma_wait3A_57 = arith.constant 0 : i32
    %dma_wait3A_58 = tpu.memref_slice %arg3[%dma_wait3A_56, %dma_wait3A_57] : memref<1007616x32xf32, #tpu.memory_space<hbm>> -> memref<1007616x32xf32, #tpu.memory_space<hbm>>
    tpu.wait_indirect_dma semaphore(%arg13 : memref<!tpu.dma_semaphore, #tpu.memory_space<semaphore_mem>>) src(%dma_wait3A_58 : memref<1007616x32xf32, #tpu.memory_space<hbm>>) dst(%arg10 : memref<1024x32xf32, #tpu.memory_space<vmem>>)
    %dma_start3A_59 = arith.constant 0 : i32
    %dma_start3A_60 = tpu.memref_slice %arg4[%add3A_39, %dma_start3A_59] : memref<1638400x32xf32, #tpu.memory_space<hbm>> -> memref<1024x32xf32, #tpu.memory_space<hbm>>
    %dma_start3A_61 = arith.constant 0 : i32
    %dma_start3A_62 = tpu.memref_slice %arg4[%add3A_39, %dma_start3A_61] : memref<1638400x32xf32, #tpu.memory_space<hbm>> -> memref<1024x32xf32, #tpu.memory_space<hbm>>
    tpu.enqueue_dma source(%arg10 : memref<1024x32xf32, #tpu.memory_space<vmem>>) target(%dma_start3A_62 : memref<1024x32xf32, #tpu.memory_space<hbm>>) target_semaphore(%arg15 : memref<!tpu.dma_semaphore, #tpu.memory_space<semaphore_mem>>)
    %scan3A_63 = arith.constant 1 : i32
    %scan3A_64 = arith.constant 23 : i32
    %scan3A_65 = arith.addi %scan3A_63, %scan3A_64 : i32
    %scan3A_66 = arith.constant 1 : i32
    scf.for %scan3A_121 = %scan3A_63 to %scan3A_65 step %scan3A_66  : i32 {
      %mul3A_122 = arith.constant 2 : i32
      %mul3A_123 = arith.muli %mul3A_122, %scan3A_121 : i32
      %mul3A_124 = arith.constant 1024 : i32
      %mul3A_125 = arith.muli %mul3A_123, %mul3A_124 : i32
      %add3A_126 = arith.addi %mul3A_2, %mul3A_125 : i32
      %dma_wait3A_127 = arith.constant 0 : i32
      %dma_wait3A_128 = tpu.memref_slice %arg4[%add3A_126, %dma_wait3A_127] : memref<1638400x32xf32, #tpu.memory_space<hbm>> -> memref<1024x32xf32, #tpu.memory_space<hbm>>
      %dma_wait3A_129 = arith.constant 0 : i32
      %dma_wait3A_130 = tpu.memref_slice %arg4[%add3A_126, %dma_wait3A_129] : memref<1638400x32xf32, #tpu.memory_space<hbm>> -> memref<1024x32xf32, #tpu.memory_space<hbm>>
      tpu.wait_dma2 semaphore(%arg14 : memref<!tpu.dma_semaphore, #tpu.memory_space<semaphore_mem>>) src(%arg9 : memref<1024x32xf32, #tpu.memory_space<vmem>>) dst(%dma_wait3A_130 : memref<1024x32xf32, #tpu.memory_space<hbm>>)
      %dma_start3A_131 = arith.constant 0 : i32
      %dma_start3A_132 = arith.constant 0 : i32
      %dma_start3A_133 = tpu.memref_slice %arg3[%dma_start3A_131, %dma_start3A_132] : memref<1007616x32xf32, #tpu.memory_space<hbm>> -> memref<1007616x32xf32, #tpu.memory_space<hbm>>
      tpu.enqueue_indirect_dma source(%dma_start3A_133 : memref<1007616x32xf32, #tpu.memory_space<hbm>>) target(%arg9 : memref<1024x32xf32, #tpu.memory_space<vmem>>) offsets(%arg7 : memref<1024xi32, #tpu.memory_space<vmem>>) semaphore(%arg13 : memref<!tpu.dma_semaphore, #tpu.memory_space<semaphore_mem>>)
      %add3A_134 = arith.constant 2048 : i32
      %add3A_135 = arith.addi %add3A_126, %add3A_134 : i32
      %dma_start3A_136 = tpu.memref_slice %arg2[%add3A_135] : memref<1638400xi32, #tpu.memory_space<hbm>> -> memref<1024xi32, #tpu.memory_space<hbm>>
      %dma_start3A_137 = tpu.memref_slice %arg2[%add3A_135] : memref<1638400xi32, #tpu.memory_space<hbm>> -> memref<1024xi32, #tpu.memory_space<hbm>>
      tpu.enqueue_dma source(%dma_start3A_137 : memref<1024xi32, #tpu.memory_space<hbm>>) target(%arg5 : memref<1024xi32, #tpu.memory_space<vmem>>) target_semaphore(%arg11 : memref<!tpu.dma_semaphore, #tpu.memory_space<semaphore_mem>>)
      %add3A_138 = arith.constant 1024 : i32
      %add3A_139 = arith.addi %add3A_126, %add3A_138 : i32
      %dma_wait3A_140 = tpu.memref_slice %arg2[%add3A_139] : memref<1638400xi32, #tpu.memory_space<hbm>> -> memref<1024xi32, #tpu.memory_space<hbm>>
      %dma_wait3A_141 = tpu.memref_slice %arg2[%add3A_139] : memref<1638400xi32, #tpu.memory_space<hbm>> -> memref<1024xi32, #tpu.memory_space<hbm>>
      tpu.wait_dma2 semaphore(%arg12 : memref<!tpu.dma_semaphore, #tpu.memory_space<semaphore_mem>>) src(%dma_wait3A_141 : memref<1024xi32, #tpu.memory_space<hbm>>) dst(%arg6 : memref<1024xi32, #tpu.memory_space<vmem>>)
      %scan3A_142 = arith.constant 0 : i32
      %scan3A_143 = arith.constant 64 : i32
      %scan3A_144 = arith.addi %scan3A_142, %scan3A_143 : i32
      %scan3A_145 = arith.constant 1 : i32
      scf.for %scan3A_186 = %scan3A_142 to %scan3A_144 step %scan3A_145  : i32 {
        %iota3A = tpu.iota {dimensions = array<i32: 0>} : vector<16xi32>
        %mul3A_187 = arith.constant 16 : i32
        %mul3A_188 = arith.muli %mul3A_187, %scan3A_186 : i32
        %add3A_189 = vector.broadcast %mul3A_188 : i32 to vector<16xi32>
        %add3A_190 = arith.addi %iota3A, %add3A_189 : vector<16xi32>
        %and3A = arith.constant 3 : i32
        %and3A_191 = vector.broadcast %and3A : i32 to vector<16xi32>
        %and3A_192 = arith.andi %add3A_190, %and3A_191 : vector<16xi32>
        %mul3A_193 = arith.constant 256 : i32
        %mul3A_194 = vector.broadcast %mul3A_193 : i32 to vector<16xi32>
        %mul3A_195 = arith.muli %and3A_192, %mul3A_194 : vector<16xi32>
        %shift_right_arithmetic3A = arith.constant 2 : i32
        %shift_right_arithmetic3A_196 = vector.broadcast %shift_right_arithmetic3A : i32 to vector<16xi32>
        %shift_right_arithmetic3A_197 = arith.shrsi %add3A_190, %shift_right_arithmetic3A_196 : vector<16xi32>
        %add3A_198 = arith.addi %mul3A_195, %shift_right_arithmetic3A_197 : vector<16xi32>
        %gather3A = tpu.vector_load_idx %arg6[%add3A_198] : memref<1024xi32, #tpu.memory_space<vmem>>[vector<16xi32>], vector<16xi32>,
        %mul3A_199 = arith.constant 16 : i32
        %mul3A_200 = arith.muli %mul3A_199, %scan3A_186 : i32
        %swap3A = arith.index_cast %mul3A_200 : i32 to index
        %swap3A_201 = tpu.vector_load %arg8[%swap3A] {strides = array<i32>} : memref<1024xi32, #tpu.memory_space<vmem>>, vector<16xi32>,
        tpu.vector_store %arg8[%swap3A], %gather3A {strides = array<i32>} : memref<1024xi32, #tpu.memory_space<vmem>>, vector<16xi32>,
      }
      %scan3A_146 = arith.constant 64 : i32
      %dma_wait3A_147 = arith.constant 0 : i32
      %dma_wait3A_148 = arith.constant 0 : i32
      %dma_wait3A_149 = tpu.memref_slice %arg3[%dma_wait3A_147, %dma_wait3A_148] : memref<1007616x32xf32, #tpu.memory_space<hbm>> -> memref<1007616x32xf32, #tpu.memory_space<hbm>>
      tpu.wait_indirect_dma semaphore(%arg13 : memref<!tpu.dma_semaphore, #tpu.memory_space<semaphore_mem>>) src(%dma_wait3A_149 : memref<1007616x32xf32, #tpu.memory_space<hbm>>) dst(%arg9 : memref<1024x32xf32, #tpu.memory_space<vmem>>)
      %dma_start3A_150 = arith.constant 0 : i32
      %dma_start3A_151 = tpu.memref_slice %arg4[%add3A_126, %dma_start3A_150] : memref<1638400x32xf32, #tpu.memory_space<hbm>> -> memref<1024x32xf32, #tpu.memory_space<hbm>>
      %dma_start3A_152 = arith.constant 0 : i32
      %dma_start3A_153 = tpu.memref_slice %arg4[%add3A_126, %dma_start3A_152] : memref<1638400x32xf32, #tpu.memory_space<hbm>> -> memref<1024x32xf32, #tpu.memory_space<hbm>>
      tpu.enqueue_dma source(%arg9 : memref<1024x32xf32, #tpu.memory_space<vmem>>) target(%dma_start3A_153 : memref<1024x32xf32, #tpu.memory_space<hbm>>) target_semaphore(%arg14 : memref<!tpu.dma_semaphore, #tpu.memory_space<semaphore_mem>>)
      %add3A_154 = arith.constant 1 : i32
      %add3A_155 = arith.addi %mul3A_123, %add3A_154 : i32
      %mul3A_156 = arith.constant 1024 : i32
      %mul3A_157 = arith.muli %add3A_155, %mul3A_156 : i32
      %add3A_158 = arith.addi %mul3A_2, %mul3A_157 : i32
      %dma_wait3A_159 = arith.constant 0 : i32
      %dma_wait3A_160 = tpu.memref_slice %arg4[%add3A_158, %dma_wait3A_159] : memref<1638400x32xf32, #tpu.memory_space<hbm>> -> memref<1024x32xf32, #tpu.memory_space<hbm>>
      %dma_wait3A_161 = arith.constant 0 : i32
      %dma_wait3A_162 = tpu.memref_slice %arg4[%add3A_158, %dma_wait3A_161] : memref<1638400x32xf32, #tpu.memory_space<hbm>> -> memref<1024x32xf32, #tpu.memory_space<hbm>>
      tpu.wait_dma2 semaphore(%arg15 : memref<!tpu.dma_semaphore, #tpu.memory_space<semaphore_mem>>) src(%arg10 : memref<1024x32xf32, #tpu.memory_space<vmem>>) dst(%dma_wait3A_162 : memref<1024x32xf32, #tpu.memory_space<hbm>>)
      %dma_start3A_163 = arith.constant 0 : i32
      %dma_start3A_164 = arith.constant 0 : i32
      %dma_start3A_165 = tpu.memref_slice %arg3[%dma_start3A_163, %dma_start3A_164] : memref<1007616x32xf32, #tpu.memory_space<hbm>> -> memref<1007616x32xf32, #tpu.memory_space<hbm>>
      tpu.enqueue_indirect_dma source(%dma_start3A_165 : memref<1007616x32xf32, #tpu.memory_space<hbm>>) target(%arg10 : memref<1024x32xf32, #tpu.memory_space<vmem>>) offsets(%arg8 : memref<1024xi32, #tpu.memory_space<vmem>>) semaphore(%arg13 : memref<!tpu.dma_semaphore, #tpu.memory_space<semaphore_mem>>)
      %add3A_166 = arith.constant 2048 : i32
      %add3A_167 = arith.addi %add3A_158, %add3A_166 : i32
      %dma_start3A_168 = tpu.memref_slice %arg2[%add3A_167] : memref<1638400xi32, #tpu.memory_space<hbm>> -> memref<1024xi32, #tpu.memory_space<hbm>>
      %dma_start3A_169 = tpu.memref_slice %arg2[%add3A_167] : memref<1638400xi32, #tpu.memory_space<hbm>> -> memref<1024xi32, #tpu.memory_space<hbm>>
      tpu.enqueue_dma source(%dma_start3A_169 : memref<1024xi32, #tpu.memory_space<hbm>>) target(%arg6 : memref<1024xi32, #tpu.memory_space<vmem>>) target_semaphore(%arg12 : memref<!tpu.dma_semaphore, #tpu.memory_space<semaphore_mem>>)
      %add3A_170 = arith.constant 1024 : i32
      %add3A_171 = arith.addi %add3A_158, %add3A_170 : i32
      %dma_wait3A_172 = tpu.memref_slice %arg2[%add3A_171] : memref<1638400xi32, #tpu.memory_space<hbm>> -> memref<1024xi32, #tpu.memory_space<hbm>>
      %dma_wait3A_173 = tpu.memref_slice %arg2[%add3A_171] : memref<1638400xi32, #tpu.memory_space<hbm>> -> memref<1024xi32, #tpu.memory_space<hbm>>
      tpu.wait_dma2 semaphore(%arg11 : memref<!tpu.dma_semaphore, #tpu.memory_space<semaphore_mem>>) src(%dma_wait3A_173 : memref<1024xi32, #tpu.memory_space<hbm>>) dst(%arg5 : memref<1024xi32, #tpu.memory_space<vmem>>)
      %scan3A_174 = arith.constant 0 : i32
      %scan3A_175 = arith.constant 64 : i32
      %scan3A_176 = arith.addi %scan3A_174, %scan3A_175 : i32
      %scan3A_177 = arith.constant 1 : i32
      scf.for %scan3A_186 = %scan3A_174 to %scan3A_176 step %scan3A_177  : i32 {
        %iota3A = tpu.iota {dimensions = array<i32: 0>} : vector<16xi32>
        %mul3A_187 = arith.constant 16 : i32
        %mul3A_188 = arith.muli %mul3A_187, %scan3A_186 : i32
        %add3A_189 = vector.broadcast %mul3A_188 : i32 to vector<16xi32>
        %add3A_190 = arith.addi %iota3A, %add3A_189 : vector<16xi32>
        %and3A = arith.constant 3 : i32
        %and3A_191 = vector.broadcast %and3A : i32 to vector<16xi32>
        %and3A_192 = arith.andi %add3A_190, %and3A_191 : vector<16xi32>
        %mul3A_193 = arith.constant 256 : i32
        %mul3A_194 = vector.broadcast %mul3A_193 : i32 to vector<16xi32>
        %mul3A_195 = arith.muli %and3A_192, %mul3A_194 : vector<16xi32>
        %shift_right_arithmetic3A = arith.constant 2 : i32
        %shift_right_arithmetic3A_196 = vector.broadcast %shift_right_arithmetic3A : i32 to vector<16xi32>
        %shift_right_arithmetic3A_197 = arith.shrsi %add3A_190, %shift_right_arithmetic3A_196 : vector<16xi32>
        %add3A_198 = arith.addi %mul3A_195, %shift_right_arithmetic3A_197 : vector<16xi32>
        %gather3A = tpu.vector_load_idx %arg5[%add3A_198] : memref<1024xi32, #tpu.memory_space<vmem>>[vector<16xi32>], vector<16xi32>,
        %mul3A_199 = arith.constant 16 : i32
        %mul3A_200 = arith.muli %mul3A_199, %scan3A_186 : i32
        %swap3A = arith.index_cast %mul3A_200 : i32 to index
        %swap3A_201 = tpu.vector_load %arg7[%swap3A] {strides = array<i32>} : memref<1024xi32, #tpu.memory_space<vmem>>, vector<16xi32>,
        tpu.vector_store %arg7[%swap3A], %gather3A {strides = array<i32>} : memref<1024xi32, #tpu.memory_space<vmem>>, vector<16xi32>,
      }
      %scan3A_178 = arith.constant 64 : i32
      %dma_wait3A_179 = arith.constant 0 : i32
      %dma_wait3A_180 = arith.constant 0 : i32
      %dma_wait3A_181 = tpu.memref_slice %arg3[%dma_wait3A_179, %dma_wait3A_180] : memref<1007616x32xf32, #tpu.memory_space<hbm>> -> memref<1007616x32xf32, #tpu.memory_space<hbm>>
      tpu.wait_indirect_dma semaphore(%arg13 : memref<!tpu.dma_semaphore, #tpu.memory_space<semaphore_mem>>) src(%dma_wait3A_181 : memref<1007616x32xf32, #tpu.memory_space<hbm>>) dst(%arg10 : memref<1024x32xf32, #tpu.memory_space<vmem>>)
      %dma_start3A_182 = arith.constant 0 : i32
      %dma_start3A_183 = tpu.memref_slice %arg4[%add3A_158, %dma_start3A_182] : memref<1638400x32xf32, #tpu.memory_space<hbm>> -> memref<1024x32xf32, #tpu.memory_space<hbm>>
      %dma_start3A_184 = arith.constant 0 : i32
      %dma_start3A_185 = tpu.memref_slice %arg4[%add3A_158, %dma_start3A_184] : memref<1638400x32xf32, #tpu.memory_space<hbm>> -> memref<1024x32xf32, #tpu.memory_space<hbm>>
      tpu.enqueue_dma source(%arg10 : memref<1024x32xf32, #tpu.memory_space<vmem>>) target(%dma_start3A_185 : memref<1024x32xf32, #tpu.memory_space<hbm>>) target_semaphore(%arg15 : memref<!tpu.dma_semaphore, #tpu.memory_space<semaphore_mem>>)
    }
    %scan3A_67 = arith.constant 23 : i32
    %add3A_68 = arith.constant 49152 : i32
    %add3A_69 = arith.addi %mul3A_2, %add3A_68 : i32
    %dma_wait3A_70 = arith.constant 0 : i32
    %dma_wait3A_71 = tpu.memref_slice %arg4[%add3A_69, %dma_wait3A_70] : memref<1638400x32xf32, #tpu.memory_space<hbm>> -> memref<1024x32xf32, #tpu.memory_space<hbm>>
    %dma_wait3A_72 = arith.constant 0 : i32
    %dma_wait3A_73 = tpu.memref_slice %arg4[%add3A_69, %dma_wait3A_72] : memref<1638400x32xf32, #tpu.memory_space<hbm>> -> memref<1024x32xf32, #tpu.memory_space<hbm>>
    tpu.wait_dma2 semaphore(%arg14 : memref<!tpu.dma_semaphore, #tpu.memory_space<semaphore_mem>>) src(%arg9 : memref<1024x32xf32, #tpu.memory_space<vmem>>) dst(%dma_wait3A_73 : memref<1024x32xf32, #tpu.memory_space<hbm>>)
    %dma_start3A_74 = arith.constant 0 : i32
    %dma_start3A_75 = arith.constant 0 : i32
    %dma_start3A_76 = tpu.memref_slice %arg3[%dma_start3A_74, %dma_start3A_75] : memref<1007616x32xf32, #tpu.memory_space<hbm>> -> memref<1007616x32xf32, #tpu.memory_space<hbm>>
    tpu.enqueue_indirect_dma source(%dma_start3A_76 : memref<1007616x32xf32, #tpu.memory_space<hbm>>) target(%arg9 : memref<1024x32xf32, #tpu.memory_space<vmem>>) offsets(%arg7 : memref<1024xi32, #tpu.memory_space<vmem>>) semaphore(%arg13 : memref<!tpu.dma_semaphore, #tpu.memory_space<semaphore_mem>>)
    %add3A_77 = arith.constant 1024 : i32
    %add3A_78 = arith.addi %add3A_69, %add3A_77 : i32
    %dma_wait3A_79 = tpu.memref_slice %arg2[%add3A_78] : memref<1638400xi32, #tpu.memory_space<hbm>> -> memref<1024xi32, #tpu.memory_space<hbm>>
    %dma_wait3A_80 = tpu.memref_slice %arg2[%add3A_78] : memref<1638400xi32, #tpu.memory_space<hbm>> -> memref<1024xi32, #tpu.memory_space<hbm>>
    tpu.wait_dma2 semaphore(%arg12 : memref<!tpu.dma_semaphore, #tpu.memory_space<semaphore_mem>>) src(%dma_wait3A_80 : memref<1024xi32, #tpu.memory_space<hbm>>) dst(%arg6 : memref<1024xi32, #tpu.memory_space<vmem>>)
    %scan3A_81 = arith.constant 0 : i32
    %scan3A_82 = arith.constant 64 : i32
    %scan3A_83 = arith.addi %scan3A_81, %scan3A_82 : i32
    %scan3A_84 = arith.constant 1 : i32
    scf.for %scan3A_121 = %scan3A_81 to %scan3A_83 step %scan3A_84  : i32 {
      %iota3A = tpu.iota {dimensions = array<i32: 0>} : vector<16xi32>
      %mul3A_122 = arith.constant 16 : i32
      %mul3A_123 = arith.muli %mul3A_122, %scan3A_121 : i32
      %add3A_124 = vector.broadcast %mul3A_123 : i32 to vector<16xi32>
      %add3A_125 = arith.addi %iota3A, %add3A_124 : vector<16xi32>
      %and3A = arith.constant 3 : i32
      %and3A_126 = vector.broadcast %and3A : i32 to vector<16xi32>
      %and3A_127 = arith.andi %add3A_125, %and3A_126 : vector<16xi32>
      %mul3A_128 = arith.constant 256 : i32
      %mul3A_129 = vector.broadcast %mul3A_128 : i32 to vector<16xi32>
      %mul3A_130 = arith.muli %and3A_127, %mul3A_129 : vector<16xi32>
      %shift_right_arithmetic3A = arith.constant 2 : i32
      %shift_right_arithmetic3A_131 = vector.broadcast %shift_right_arithmetic3A : i32 to vector<16xi32>
      %shift_right_arithmetic3A_132 = arith.shrsi %add3A_125, %shift_right_arithmetic3A_131 : vector<16xi32>
      %add3A_133 = arith.addi %mul3A_130, %shift_right_arithmetic3A_132 : vector<16xi32>
      %gather3A = tpu.vector_load_idx %arg6[%add3A_133] : memref<1024xi32, #tpu.memory_space<vmem>>[vector<16xi32>], vector<16xi32>,
      %mul3A_134 = arith.constant 16 : i32
      %mul3A_135 = arith.muli %mul3A_134, %scan3A_121 : i32
      %swap3A = arith.index_cast %mul3A_135 : i32 to index
      %swap3A_136 = tpu.vector_load %arg8[%swap3A] {strides = array<i32>} : memref<1024xi32, #tpu.memory_space<vmem>>, vector<16xi32>,
      tpu.vector_store %arg8[%swap3A], %gather3A {strides = array<i32>} : memref<1024xi32, #tpu.memory_space<vmem>>, vector<16xi32>,
    }
    %scan3A_85 = arith.constant 64 : i32
    %dma_wait3A_86 = arith.constant 0 : i32
    %dma_wait3A_87 = arith.constant 0 : i32
    %dma_wait3A_88 = tpu.memref_slice %arg3[%dma_wait3A_86, %dma_wait3A_87] : memref<1007616x32xf32, #tpu.memory_space<hbm>> -> memref<1007616x32xf32, #tpu.memory_space<hbm>>
    tpu.wait_indirect_dma semaphore(%arg13 : memref<!tpu.dma_semaphore, #tpu.memory_space<semaphore_mem>>) src(%dma_wait3A_88 : memref<1007616x32xf32, #tpu.memory_space<hbm>>) dst(%arg9 : memref<1024x32xf32, #tpu.memory_space<vmem>>)
    %dma_start3A_89 = arith.constant 0 : i32
    %dma_start3A_90 = tpu.memref_slice %arg4[%add3A_69, %dma_start3A_89] : memref<1638400x32xf32, #tpu.memory_space<hbm>> -> memref<1024x32xf32, #tpu.memory_space<hbm>>
    %dma_start3A_91 = arith.constant 0 : i32
    %dma_start3A_92 = tpu.memref_slice %arg4[%add3A_69, %dma_start3A_91] : memref<1638400x32xf32, #tpu.memory_space<hbm>> -> memref<1024x32xf32, #tpu.memory_space<hbm>>
    tpu.enqueue_dma source(%arg9 : memref<1024x32xf32, #tpu.memory_space<vmem>>) target(%dma_start3A_92 : memref<1024x32xf32, #tpu.memory_space<hbm>>) target_semaphore(%arg14 : memref<!tpu.dma_semaphore, #tpu.memory_space<semaphore_mem>>)
    %add3A_93 = arith.constant 50176 : i32
    %add3A_94 = arith.addi %mul3A_2, %add3A_93 : i32
    %dma_wait3A_95 = arith.constant 0 : i32
    %dma_wait3A_96 = tpu.memref_slice %arg4[%add3A_94, %dma_wait3A_95] : memref<1638400x32xf32, #tpu.memory_space<hbm>> -> memref<1024x32xf32, #tpu.memory_space<hbm>>
    %dma_wait3A_97 = arith.constant 0 : i32
    %dma_wait3A_98 = tpu.memref_slice %arg4[%add3A_94, %dma_wait3A_97] : memref<1638400x32xf32, #tpu.memory_space<hbm>> -> memref<1024x32xf32, #tpu.memory_space<hbm>>
    tpu.wait_dma2 semaphore(%arg15 : memref<!tpu.dma_semaphore, #tpu.memory_space<semaphore_mem>>) src(%arg10 : memref<1024x32xf32, #tpu.memory_space<vmem>>) dst(%dma_wait3A_98 : memref<1024x32xf32, #tpu.memory_space<hbm>>)
    %dma_start3A_99 = arith.constant 0 : i32
    %dma_start3A_100 = arith.constant 0 : i32
    %dma_start3A_101 = tpu.memref_slice %arg3[%dma_start3A_99, %dma_start3A_100] : memref<1007616x32xf32, #tpu.memory_space<hbm>> -> memref<1007616x32xf32, #tpu.memory_space<hbm>>
    tpu.enqueue_indirect_dma source(%dma_start3A_101 : memref<1007616x32xf32, #tpu.memory_space<hbm>>) target(%arg10 : memref<1024x32xf32, #tpu.memory_space<vmem>>) offsets(%arg8 : memref<1024xi32, #tpu.memory_space<vmem>>) semaphore(%arg13 : memref<!tpu.dma_semaphore, #tpu.memory_space<semaphore_mem>>)
    %dma_wait3A_102 = arith.constant 0 : i32
    %dma_wait3A_103 = arith.constant 0 : i32
    %dma_wait3A_104 = tpu.memref_slice %arg3[%dma_wait3A_102, %dma_wait3A_103] : memref<1007616x32xf32, #tpu.memory_space<hbm>> -> memref<1007616x32xf32, #tpu.memory_space<hbm>>
    tpu.wait_indirect_dma semaphore(%arg13 : memref<!tpu.dma_semaphore, #tpu.memory_space<semaphore_mem>>) src(%dma_wait3A_104 : memref<1007616x32xf32, #tpu.memory_space<hbm>>) dst(%arg10 : memref<1024x32xf32, #tpu.memory_space<vmem>>)
    %dma_start3A_105 = arith.constant 0 : i32
    %dma_start3A_106 = tpu.memref_slice %arg4[%add3A_94, %dma_start3A_105] : memref<1638400x32xf32, #tpu.memory_space<hbm>> -> memref<1024x32xf32, #tpu.memory_space<hbm>>
    %dma_start3A_107 = arith.constant 0 : i32
    %dma_start3A_108 = tpu.memref_slice %arg4[%add3A_94, %dma_start3A_107] : memref<1638400x32xf32, #tpu.memory_space<hbm>> -> memref<1024x32xf32, #tpu.memory_space<hbm>>
    tpu.enqueue_dma source(%arg10 : memref<1024x32xf32, #tpu.memory_space<vmem>>) target(%dma_start3A_108 : memref<1024x32xf32, #tpu.memory_space<hbm>>) target_semaphore(%arg15 : memref<!tpu.dma_semaphore, #tpu.memory_space<semaphore_mem>>)
    %add3A_109 = arith.constant 49152 : i32
    %add3A_110 = arith.addi %mul3A_2, %add3A_109 : i32
    %dma_wait3A_111 = arith.constant 0 : i32
    %dma_wait3A_112 = tpu.memref_slice %arg4[%add3A_110, %dma_wait3A_111] : memref<1638400x32xf32, #tpu.memory_space<hbm>> -> memref<1024x32xf32, #tpu.memory_space<hbm>>
    %dma_wait3A_113 = arith.constant 0 : i32
    %dma_wait3A_114 = tpu.memref_slice %arg4[%add3A_110, %dma_wait3A_113] : memref<1638400x32xf32, #tpu.memory_space<hbm>> -> memref<1024x32xf32, #tpu.memory_space<hbm>>
    tpu.wait_dma2 semaphore(%arg14 : memref<!tpu.dma_semaphore, #tpu.memory_space<semaphore_mem>>) src(%arg9 : memref<1024x32xf32, #tpu.memory_space<vmem>>) dst(%dma_wait3A_114 : memref<1024x32xf32, #tpu.memory_space<hbm>>)
    %add3A_115 = arith.constant 1024 : i32
    %add3A_116 = arith.addi %add3A_110, %add3A_115 : i32
    %dma_wait3A_117 = arith.constant 0 : i32
    %dma_wait3A_118 = tpu.memref_slice %arg4[%add3A_116, %dma_wait3A_117] : memref<1638400x32xf32, #tpu.memory_space<hbm>> -> memref<1024x32xf32, #tpu.memory_space<hbm>>
    %dma_wait3A_119 = arith.constant 0 : i32
    %dma_wait3A_120 = tpu.memref_slice %arg4[%add3A_116, %dma_wait3A_119] : memref<1638400x32xf32, #tpu.memory_space<hbm>> -> memref<1024x32xf32, #tpu.memory_space<hbm>>
    tpu.wait_dma2 semaphore(%arg15 : memref<!tpu.dma_semaphore, #tpu.memory_space<semaphore_mem>>) src(%arg10 : memref<1024x32xf32, #tpu.memory_space<vmem>>) dst(%dma_wait3A_120 : memref<1024x32xf32, #tpu.memory_space<hbm>>)
    return
  }
}

module attributes {stable_mosaic.version = 14 : i64} {
  func.func @_out_tr_body(%arg0: i32, %arg1: memref<12800x128xf32, #tpu.memory_space<vmem>>, %arg2: memref<32x51200xf32, #tpu.memory_space<vmem>>) attributes {dimension_semantics = [#tpu.dimension_semantics<arbitrary>], iteration_bounds = array<i64: 32>, scalar_prefetch = 0 : i64, scratch_operands = 0 : i64, tpu.core_type = #tpu.core_type<tc>, window_params = [{transform_indices = @transform_0, window_bounds = array<i64: 12800, 128>}, {transform_indices = @transform_1, window_bounds = array<i64: 32, 51200>}]} {
    %get3A = arith.constant 0 : index
    %get3A_0 = arith.constant 0 : index
    %get3A_1 = vector.load %arg1[%get3A, %get3A_0] : memref<12800x128xf32, #tpu.memory_space<vmem>>, vector<12800x128xf32>
    %transpose3A = tpu.transpose %get3A_1, [1, 0] : vector<12800x128xf32> -> vector<128x12800xf32>
    %slice3A = vector.extract_strided_slice %transpose3A {offsets = [0, 0], sizes = [32, 256], strides = [1, 1]} : vector<128x12800xf32> to vector<32x256xf32>
    %slice3A_2 = vector.extract_strided_slice %transpose3A {offsets = [32, 0], sizes = [32, 256], strides = [1, 1]} : vector<128x12800xf32> to vector<32x256xf32>
    %slice3A_3 = vector.extract_strided_slice %transpose3A {offsets = [64, 0], sizes = [32, 256], strides = [1, 1]} : vector<128x12800xf32> to vector<32x256xf32>
    %slice3A_4 = vector.extract_strided_slice %transpose3A {offsets = [96, 0], sizes = [32, 256], strides = [1, 1]} : vector<128x12800xf32> to vector<32x256xf32>
    %slice3A_5 = vector.extract_strided_slice %transpose3A {offsets = [0, 256], sizes = [32, 256], strides = [1, 1]} : vector<128x12800xf32> to vector<32x256xf32>
    %slice3A_6 = vector.extract_strided_slice %transpose3A {offsets = [32, 256], sizes = [32, 256], strides = [1, 1]} : vector<128x12800xf32> to vector<32x256xf32>
    %slice3A_7 = vector.extract_strided_slice %transpose3A {offsets = [64, 256], sizes = [32, 256], strides = [1, 1]} : vector<128x12800xf32> to vector<32x256xf32>
    %slice3A_8 = vector.extract_strided_slice %transpose3A {offsets = [96, 256], sizes = [32, 256], strides = [1, 1]} : vector<128x12800xf32> to vector<32x256xf32>
    %slice3A_9 = vector.extract_strided_slice %transpose3A {offsets = [0, 512], sizes = [32, 256], strides = [1, 1]} : vector<128x12800xf32> to vector<32x256xf32>
    %slice3A_10 = vector.extract_strided_slice %transpose3A {offsets = [32, 512], sizes = [32, 256], strides = [1, 1]} : vector<128x12800xf32> to vector<32x256xf32>
    %slice3A_11 = vector.extract_strided_slice %transpose3A {offsets = [64, 512], sizes = [32, 256], strides = [1, 1]} : vector<128x12800xf32> to vector<32x256xf32>
    %slice3A_12 = vector.extract_strided_slice %transpose3A {offsets = [96, 512], sizes = [32, 256], strides = [1, 1]} : vector<128x12800xf32> to vector<32x256xf32>
    %slice3A_13 = vector.extract_strided_slice %transpose3A {offsets = [0, 768], sizes = [32, 256], strides = [1, 1]} : vector<128x12800xf32> to vector<32x256xf32>
    %slice3A_14 = vector.extract_strided_slice %transpose3A {offsets = [32, 768], sizes = [32, 256], strides = [1, 1]} : vector<128x12800xf32> to vector<32x256xf32>
    %slice3A_15 = vector.extract_strided_slice %transpose3A {offsets = [64, 768], sizes = [32, 256], strides = [1, 1]} : vector<128x12800xf32> to vector<32x256xf32>
    %slice3A_16 = vector.extract_strided_slice %transpose3A {offsets = [96, 768], sizes = [32, 256], strides = [1, 1]} : vector<128x12800xf32> to vector<32x256xf32>
    %slice3A_17 = vector.extract_strided_slice %transpose3A {offsets = [0, 1024], sizes = [32, 256], strides = [1, 1]} : vector<128x12800xf32> to vector<32x256xf32>
    %slice3A_18 = vector.extract_strided_slice %transpose3A {offsets = [32, 1024], sizes = [32, 256], strides = [1, 1]} : vector<128x12800xf32> to vector<32x256xf32>
    %slice3A_19 = vector.extract_strided_slice %transpose3A {offsets = [64, 1024], sizes = [32, 256], strides = [1, 1]} : vector<128x12800xf32> to vector<32x256xf32>
    %slice3A_20 = vector.extract_strided_slice %transpose3A {offsets = [96, 1024], sizes = [32, 256], strides = [1, 1]} : vector<128x12800xf32> to vector<32x256xf32>
    %slice3A_21 = vector.extract_strided_slice %transpose3A {offsets = [0, 1280], sizes = [32, 256], strides = [1, 1]} : vector<128x12800xf32> to vector<32x256xf32>
    %slice3A_22 = vector.extract_strided_slice %transpose3A {offsets = [32, 1280], sizes = [32, 256], strides = [1, 1]} : vector<128x12800xf32> to vector<32x256xf32>
    %slice3A_23 = vector.extract_strided_slice %transpose3A {offsets = [64, 1280], sizes = [32, 256], strides = [1, 1]} : vector<128x12800xf32> to vector<32x256xf32>
    %slice3A_24 = vector.extract_strided_slice %transpose3A {offsets = [96, 1280], sizes = [32, 256], strides = [1, 1]} : vector<128x12800xf32> to vector<32x256xf32>
    %slice3A_25 = vector.extract_strided_slice %transpose3A {offsets = [0, 1536], sizes = [32, 256], strides = [1, 1]} : vector<128x12800xf32> to vector<32x256xf32>
    %slice3A_26 = vector.extract_strided_slice %transpose3A {offsets = [32, 1536], sizes = [32, 256], strides = [1, 1]} : vector<128x12800xf32> to vector<32x256xf32>
    %slice3A_27 = vector.extract_strided_slice %transpose3A {offsets = [64, 1536], sizes = [32, 256], strides = [1, 1]} : vector<128x12800xf32> to vector<32x256xf32>
    %slice3A_28 = vector.extract_strided_slice %transpose3A {offsets = [96, 1536], sizes = [32, 256], strides = [1, 1]} : vector<128x12800xf32> to vector<32x256xf32>
    %slice3A_29 = vector.extract_strided_slice %transpose3A {offsets = [0, 1792], sizes = [32, 256], strides = [1, 1]} : vector<128x12800xf32> to vector<32x256xf32>
    %slice3A_30 = vector.extract_strided_slice %transpose3A {offsets = [32, 1792], sizes = [32, 256], strides = [1, 1]} : vector<128x12800xf32> to vector<32x256xf32>
    %slice3A_31 = vector.extract_strided_slice %transpose3A {offsets = [64, 1792], sizes = [32, 256], strides = [1, 1]} : vector<128x12800xf32> to vector<32x256xf32>
    %slice3A_32 = vector.extract_strided_slice %transpose3A {offsets = [96, 1792], sizes = [32, 256], strides = [1, 1]} : vector<128x12800xf32> to vector<32x256xf32>
    %slice3A_33 = vector.extract_strided_slice %transpose3A {offsets = [0, 2048], sizes = [32, 256], strides = [1, 1]} : vector<128x12800xf32> to vector<32x256xf32>
    %slice3A_34 = vector.extract_strided_slice %transpose3A {offsets = [32, 2048], sizes = [32, 256], strides = [1, 1]} : vector<128x12800xf32> to vector<32x256xf32>
    %slice3A_35 = vector.extract_strided_slice %transpose3A {offsets = [64, 2048], sizes = [32, 256], strides = [1, 1]} : vector<128x12800xf32> to vector<32x256xf32>
    %slice3A_36 = vector.extract_strided_slice %transpose3A {offsets = [96, 2048], sizes = [32, 256], strides = [1, 1]} : vector<128x12800xf32> to vector<32x256xf32>
    %slice3A_37 = vector.extract_strided_slice %transpose3A {offsets = [0, 2304], sizes = [32, 256], strides = [1, 1]} : vector<128x12800xf32> to vector<32x256xf32>
    %slice3A_38 = vector.extract_strided_slice %transpose3A {offsets = [32, 2304], sizes = [32, 256], strides = [1, 1]} : vector<128x12800xf32> to vector<32x256xf32>
    %slice3A_39 = vector.extract_strided_slice %transpose3A {offsets = [64, 2304], sizes = [32, 256], strides = [1, 1]} : vector<128x12800xf32> to vector<32x256xf32>
    %slice3A_40 = vector.extract_strided_slice %transpose3A {offsets = [96, 2304], sizes = [32, 256], strides = [1, 1]} : vector<128x12800xf32> to vector<32x256xf32>
    %slice3A_41 = vector.extract_strided_slice %transpose3A {offsets = [0, 2560], sizes = [32, 256], strides = [1, 1]} : vector<128x12800xf32> to vector<32x256xf32>
    %slice3A_42 = vector.extract_strided_slice %transpose3A {offsets = [32, 2560], sizes = [32, 256], strides = [1, 1]} : vector<128x12800xf32> to vector<32x256xf32>
    %slice3A_43 = vector.extract_strided_slice %transpose3A {offsets = [64, 2560], sizes = [32, 256], strides = [1, 1]} : vector<128x12800xf32> to vector<32x256xf32>
    %slice3A_44 = vector.extract_strided_slice %transpose3A {offsets = [96, 2560], sizes = [32, 256], strides = [1, 1]} : vector<128x12800xf32> to vector<32x256xf32>
    %slice3A_45 = vector.extract_strided_slice %transpose3A {offsets = [0, 2816], sizes = [32, 256], strides = [1, 1]} : vector<128x12800xf32> to vector<32x256xf32>
    %slice3A_46 = vector.extract_strided_slice %transpose3A {offsets = [32, 2816], sizes = [32, 256], strides = [1, 1]} : vector<128x12800xf32> to vector<32x256xf32>
    %slice3A_47 = vector.extract_strided_slice %transpose3A {offsets = [64, 2816], sizes = [32, 256], strides = [1, 1]} : vector<128x12800xf32> to vector<32x256xf32>
    %slice3A_48 = vector.extract_strided_slice %transpose3A {offsets = [96, 2816], sizes = [32, 256], strides = [1, 1]} : vector<128x12800xf32> to vector<32x256xf32>
    %slice3A_49 = vector.extract_strided_slice %transpose3A {offsets = [0, 3072], sizes = [32, 256], strides = [1, 1]} : vector<128x12800xf32> to vector<32x256xf32>
    %slice3A_50 = vector.extract_strided_slice %transpose3A {offsets = [32, 3072], sizes = [32, 256], strides = [1, 1]} : vector<128x12800xf32> to vector<32x256xf32>
    %slice3A_51 = vector.extract_strided_slice %transpose3A {offsets = [64, 3072], sizes = [32, 256], strides = [1, 1]} : vector<128x12800xf32> to vector<32x256xf32>
    %slice3A_52 = vector.extract_strided_slice %transpose3A {offsets = [96, 3072], sizes = [32, 256], strides = [1, 1]} : vector<128x12800xf32> to vector<32x256xf32>
    %slice3A_53 = vector.extract_strided_slice %transpose3A {offsets = [0, 3328], sizes = [32, 256], strides = [1, 1]} : vector<128x12800xf32> to vector<32x256xf32>
    %slice3A_54 = vector.extract_strided_slice %transpose3A {offsets = [32, 3328], sizes = [32, 256], strides = [1, 1]} : vector<128x12800xf32> to vector<32x256xf32>
    %slice3A_55 = vector.extract_strided_slice %transpose3A {offsets = [64, 3328], sizes = [32, 256], strides = [1, 1]} : vector<128x12800xf32> to vector<32x256xf32>
    %slice3A_56 = vector.extract_strided_slice %transpose3A {offsets = [96, 3328], sizes = [32, 256], strides = [1, 1]} : vector<128x12800xf32> to vector<32x256xf32>
    %slice3A_57 = vector.extract_strided_slice %transpose3A {offsets = [0, 3584], sizes = [32, 256], strides = [1, 1]} : vector<128x12800xf32> to vector<32x256xf32>
    %slice3A_58 = vector.extract_strided_slice %transpose3A {offsets = [32, 3584], sizes = [32, 256], strides = [1, 1]} : vector<128x12800xf32> to vector<32x256xf32>
    %slice3A_59 = vector.extract_strided_slice %transpose3A {offsets = [64, 3584], sizes = [32, 256], strides = [1, 1]} : vector<128x12800xf32> to vector<32x256xf32>
    %slice3A_60 = vector.extract_strided_slice %transpose3A {offsets = [96, 3584], sizes = [32, 256], strides = [1, 1]} : vector<128x12800xf32> to vector<32x256xf32>
    %slice3A_61 = vector.extract_strided_slice %transpose3A {offsets = [0, 3840], sizes = [32, 256], strides = [1, 1]} : vector<128x12800xf32> to vector<32x256xf32>
    %slice3A_62 = vector.extract_strided_slice %transpose3A {offsets = [32, 3840], sizes = [32, 256], strides = [1, 1]} : vector<128x12800xf32> to vector<32x256xf32>
    %slice3A_63 = vector.extract_strided_slice %transpose3A {offsets = [64, 3840], sizes = [32, 256], strides = [1, 1]} : vector<128x12800xf32> to vector<32x256xf32>
    %slice3A_64 = vector.extract_strided_slice %transpose3A {offsets = [96, 3840], sizes = [32, 256], strides = [1, 1]} : vector<128x12800xf32> to vector<32x256xf32>
    %slice3A_65 = vector.extract_strided_slice %transpose3A {offsets = [0, 4096], sizes = [32, 256], strides = [1, 1]} : vector<128x12800xf32> to vector<32x256xf32>
    %slice3A_66 = vector.extract_strided_slice %transpose3A {offsets = [32, 4096], sizes = [32, 256], strides = [1, 1]} : vector<128x12800xf32> to vector<32x256xf32>
    %slice3A_67 = vector.extract_strided_slice %transpose3A {offsets = [64, 4096], sizes = [32, 256], strides = [1, 1]} : vector<128x12800xf32> to vector<32x256xf32>
    %slice3A_68 = vector.extract_strided_slice %transpose3A {offsets = [96, 4096], sizes = [32, 256], strides = [1, 1]} : vector<128x12800xf32> to vector<32x256xf32>
    %slice3A_69 = vector.extract_strided_slice %transpose3A {offsets = [0, 4352], sizes = [32, 256], strides = [1, 1]} : vector<128x12800xf32> to vector<32x256xf32>
    %slice3A_70 = vector.extract_strided_slice %transpose3A {offsets = [32, 4352], sizes = [32, 256], strides = [1, 1]} : vector<128x12800xf32> to vector<32x256xf32>
    %slice3A_71 = vector.extract_strided_slice %transpose3A {offsets = [64, 4352], sizes = [32, 256], strides = [1, 1]} : vector<128x12800xf32> to vector<32x256xf32>
    %slice3A_72 = vector.extract_strided_slice %transpose3A {offsets = [96, 4352], sizes = [32, 256], strides = [1, 1]} : vector<128x12800xf32> to vector<32x256xf32>
    %slice3A_73 = vector.extract_strided_slice %transpose3A {offsets = [0, 4608], sizes = [32, 256], strides = [1, 1]} : vector<128x12800xf32> to vector<32x256xf32>
    %slice3A_74 = vector.extract_strided_slice %transpose3A {offsets = [32, 4608], sizes = [32, 256], strides = [1, 1]} : vector<128x12800xf32> to vector<32x256xf32>
    %slice3A_75 = vector.extract_strided_slice %transpose3A {offsets = [64, 4608], sizes = [32, 256], strides = [1, 1]} : vector<128x12800xf32> to vector<32x256xf32>
    %slice3A_76 = vector.extract_strided_slice %transpose3A {offsets = [96, 4608], sizes = [32, 256], strides = [1, 1]} : vector<128x12800xf32> to vector<32x256xf32>
    %slice3A_77 = vector.extract_strided_slice %transpose3A {offsets = [0, 4864], sizes = [32, 256], strides = [1, 1]} : vector<128x12800xf32> to vector<32x256xf32>
    %slice3A_78 = vector.extract_strided_slice %transpose3A {offsets = [32, 4864], sizes = [32, 256], strides = [1, 1]} : vector<128x12800xf32> to vector<32x256xf32>
    %slice3A_79 = vector.extract_strided_slice %transpose3A {offsets = [64, 4864], sizes = [32, 256], strides = [1, 1]} : vector<128x12800xf32> to vector<32x256xf32>
    %slice3A_80 = vector.extract_strided_slice %transpose3A {offsets = [96, 4864], sizes = [32, 256], strides = [1, 1]} : vector<128x12800xf32> to vector<32x256xf32>
    %slice3A_81 = vector.extract_strided_slice %transpose3A {offsets = [0, 5120], sizes = [32, 256], strides = [1, 1]} : vector<128x12800xf32> to vector<32x256xf32>
    %slice3A_82 = vector.extract_strided_slice %transpose3A {offsets = [32, 5120], sizes = [32, 256], strides = [1, 1]} : vector<128x12800xf32> to vector<32x256xf32>
    %slice3A_83 = vector.extract_strided_slice %transpose3A {offsets = [64, 5120], sizes = [32, 256], strides = [1, 1]} : vector<128x12800xf32> to vector<32x256xf32>
    %slice3A_84 = vector.extract_strided_slice %transpose3A {offsets = [96, 5120], sizes = [32, 256], strides = [1, 1]} : vector<128x12800xf32> to vector<32x256xf32>
    %slice3A_85 = vector.extract_strided_slice %transpose3A {offsets = [0, 5376], sizes = [32, 256], strides = [1, 1]} : vector<128x12800xf32> to vector<32x256xf32>
    %slice3A_86 = vector.extract_strided_slice %transpose3A {offsets = [32, 5376], sizes = [32, 256], strides = [1, 1]} : vector<128x12800xf32> to vector<32x256xf32>
    %slice3A_87 = vector.extract_strided_slice %transpose3A {offsets = [64, 5376], sizes = [32, 256], strides = [1, 1]} : vector<128x12800xf32> to vector<32x256xf32>
    %slice3A_88 = vector.extract_strided_slice %transpose3A {offsets = [96, 5376], sizes = [32, 256], strides = [1, 1]} : vector<128x12800xf32> to vector<32x256xf32>
    %slice3A_89 = vector.extract_strided_slice %transpose3A {offsets = [0, 5632], sizes = [32, 256], strides = [1, 1]} : vector<128x12800xf32> to vector<32x256xf32>
    %slice3A_90 = vector.extract_strided_slice %transpose3A {offsets = [32, 5632], sizes = [32, 256], strides = [1, 1]} : vector<128x12800xf32> to vector<32x256xf32>
    %slice3A_91 = vector.extract_strided_slice %transpose3A {offsets = [64, 5632], sizes = [32, 256], strides = [1, 1]} : vector<128x12800xf32> to vector<32x256xf32>
    %slice3A_92 = vector.extract_strided_slice %transpose3A {offsets = [96, 5632], sizes = [32, 256], strides = [1, 1]} : vector<128x12800xf32> to vector<32x256xf32>
    %slice3A_93 = vector.extract_strided_slice %transpose3A {offsets = [0, 5888], sizes = [32, 256], strides = [1, 1]} : vector<128x12800xf32> to vector<32x256xf32>
    %slice3A_94 = vector.extract_strided_slice %transpose3A {offsets = [32, 5888], sizes = [32, 256], strides = [1, 1]} : vector<128x12800xf32> to vector<32x256xf32>
    %slice3A_95 = vector.extract_strided_slice %transpose3A {offsets = [64, 5888], sizes = [32, 256], strides = [1, 1]} : vector<128x12800xf32> to vector<32x256xf32>
    %slice3A_96 = vector.extract_strided_slice %transpose3A {offsets = [96, 5888], sizes = [32, 256], strides = [1, 1]} : vector<128x12800xf32> to vector<32x256xf32>
    %slice3A_97 = vector.extract_strided_slice %transpose3A {offsets = [0, 6144], sizes = [32, 256], strides = [1, 1]} : vector<128x12800xf32> to vector<32x256xf32>
    %slice3A_98 = vector.extract_strided_slice %transpose3A {offsets = [32, 6144], sizes = [32, 256], strides = [1, 1]} : vector<128x12800xf32> to vector<32x256xf32>
    %slice3A_99 = vector.extract_strided_slice %transpose3A {offsets = [64, 6144], sizes = [32, 256], strides = [1, 1]} : vector<128x12800xf32> to vector<32x256xf32>
    %slice3A_100 = vector.extract_strided_slice %transpose3A {offsets = [96, 6144], sizes = [32, 256], strides = [1, 1]} : vector<128x12800xf32> to vector<32x256xf32>
    %slice3A_101 = vector.extract_strided_slice %transpose3A {offsets = [0, 6400], sizes = [32, 256], strides = [1, 1]} : vector<128x12800xf32> to vector<32x256xf32>
    %slice3A_102 = vector.extract_strided_slice %transpose3A {offsets = [32, 6400], sizes = [32, 256], strides = [1, 1]} : vector<128x12800xf32> to vector<32x256xf32>
    %slice3A_103 = vector.extract_strided_slice %transpose3A {offsets = [64, 6400], sizes = [32, 256], strides = [1, 1]} : vector<128x12800xf32> to vector<32x256xf32>
    %slice3A_104 = vector.extract_strided_slice %transpose3A {offsets = [96, 6400], sizes = [32, 256], strides = [1, 1]} : vector<128x12800xf32> to vector<32x256xf32>
    %slice3A_105 = vector.extract_strided_slice %transpose3A {offsets = [0, 6656], sizes = [32, 256], strides = [1, 1]} : vector<128x12800xf32> to vector<32x256xf32>
    %slice3A_106 = vector.extract_strided_slice %transpose3A {offsets = [32, 6656], sizes = [32, 256], strides = [1, 1]} : vector<128x12800xf32> to vector<32x256xf32>
    %slice3A_107 = vector.extract_strided_slice %transpose3A {offsets = [64, 6656], sizes = [32, 256], strides = [1, 1]} : vector<128x12800xf32> to vector<32x256xf32>
    %slice3A_108 = vector.extract_strided_slice %transpose3A {offsets = [96, 6656], sizes = [32, 256], strides = [1, 1]} : vector<128x12800xf32> to vector<32x256xf32>
    %slice3A_109 = vector.extract_strided_slice %transpose3A {offsets = [0, 6912], sizes = [32, 256], strides = [1, 1]} : vector<128x12800xf32> to vector<32x256xf32>
    %slice3A_110 = vector.extract_strided_slice %transpose3A {offsets = [32, 6912], sizes = [32, 256], strides = [1, 1]} : vector<128x12800xf32> to vector<32x256xf32>
    %slice3A_111 = vector.extract_strided_slice %transpose3A {offsets = [64, 6912], sizes = [32, 256], strides = [1, 1]} : vector<128x12800xf32> to vector<32x256xf32>
    %slice3A_112 = vector.extract_strided_slice %transpose3A {offsets = [96, 6912], sizes = [32, 256], strides = [1, 1]} : vector<128x12800xf32> to vector<32x256xf32>
    %slice3A_113 = vector.extract_strided_slice %transpose3A {offsets = [0, 7168], sizes = [32, 256], strides = [1, 1]} : vector<128x12800xf32> to vector<32x256xf32>
    %slice3A_114 = vector.extract_strided_slice %transpose3A {offsets = [32, 7168], sizes = [32, 256], strides = [1, 1]} : vector<128x12800xf32> to vector<32x256xf32>
    %slice3A_115 = vector.extract_strided_slice %transpose3A {offsets = [64, 7168], sizes = [32, 256], strides = [1, 1]} : vector<128x12800xf32> to vector<32x256xf32>
    %slice3A_116 = vector.extract_strided_slice %transpose3A {offsets = [96, 7168], sizes = [32, 256], strides = [1, 1]} : vector<128x12800xf32> to vector<32x256xf32>
    %slice3A_117 = vector.extract_strided_slice %transpose3A {offsets = [0, 7424], sizes = [32, 256], strides = [1, 1]} : vector<128x12800xf32> to vector<32x256xf32>
    %slice3A_118 = vector.extract_strided_slice %transpose3A {offsets = [32, 7424], sizes = [32, 256], strides = [1, 1]} : vector<128x12800xf32> to vector<32x256xf32>
    %slice3A_119 = vector.extract_strided_slice %transpose3A {offsets = [64, 7424], sizes = [32, 256], strides = [1, 1]} : vector<128x12800xf32> to vector<32x256xf32>
    %slice3A_120 = vector.extract_strided_slice %transpose3A {offsets = [96, 7424], sizes = [32, 256], strides = [1, 1]} : vector<128x12800xf32> to vector<32x256xf32>
    %slice3A_121 = vector.extract_strided_slice %transpose3A {offsets = [0, 7680], sizes = [32, 256], strides = [1, 1]} : vector<128x12800xf32> to vector<32x256xf32>
    %slice3A_122 = vector.extract_strided_slice %transpose3A {offsets = [32, 7680], sizes = [32, 256], strides = [1, 1]} : vector<128x12800xf32> to vector<32x256xf32>
    %slice3A_123 = vector.extract_strided_slice %transpose3A {offsets = [64, 7680], sizes = [32, 256], strides = [1, 1]} : vector<128x12800xf32> to vector<32x256xf32>
    %slice3A_124 = vector.extract_strided_slice %transpose3A {offsets = [96, 7680], sizes = [32, 256], strides = [1, 1]} : vector<128x12800xf32> to vector<32x256xf32>
    %slice3A_125 = vector.extract_strided_slice %transpose3A {offsets = [0, 7936], sizes = [32, 256], strides = [1, 1]} : vector<128x12800xf32> to vector<32x256xf32>
    %slice3A_126 = vector.extract_strided_slice %transpose3A {offsets = [32, 7936], sizes = [32, 256], strides = [1, 1]} : vector<128x12800xf32> to vector<32x256xf32>
    %slice3A_127 = vector.extract_strided_slice %transpose3A {offsets = [64, 7936], sizes = [32, 256], strides = [1, 1]} : vector<128x12800xf32> to vector<32x256xf32>
    %slice3A_128 = vector.extract_strided_slice %transpose3A {offsets = [96, 7936], sizes = [32, 256], strides = [1, 1]} : vector<128x12800xf32> to vector<32x256xf32>
    %slice3A_129 = vector.extract_strided_slice %transpose3A {offsets = [0, 8192], sizes = [32, 256], strides = [1, 1]} : vector<128x12800xf32> to vector<32x256xf32>
    %slice3A_130 = vector.extract_strided_slice %transpose3A {offsets = [32, 8192], sizes = [32, 256], strides = [1, 1]} : vector<128x12800xf32> to vector<32x256xf32>
    %slice3A_131 = vector.extract_strided_slice %transpose3A {offsets = [64, 8192], sizes = [32, 256], strides = [1, 1]} : vector<128x12800xf32> to vector<32x256xf32>
    %slice3A_132 = vector.extract_strided_slice %transpose3A {offsets = [96, 8192], sizes = [32, 256], strides = [1, 1]} : vector<128x12800xf32> to vector<32x256xf32>
    %slice3A_133 = vector.extract_strided_slice %transpose3A {offsets = [0, 8448], sizes = [32, 256], strides = [1, 1]} : vector<128x12800xf32> to vector<32x256xf32>
    %slice3A_134 = vector.extract_strided_slice %transpose3A {offsets = [32, 8448], sizes = [32, 256], strides = [1, 1]} : vector<128x12800xf32> to vector<32x256xf32>
    %slice3A_135 = vector.extract_strided_slice %transpose3A {offsets = [64, 8448], sizes = [32, 256], strides = [1, 1]} : vector<128x12800xf32> to vector<32x256xf32>
    %slice3A_136 = vector.extract_strided_slice %transpose3A {offsets = [96, 8448], sizes = [32, 256], strides = [1, 1]} : vector<128x12800xf32> to vector<32x256xf32>
    %slice3A_137 = vector.extract_strided_slice %transpose3A {offsets = [0, 8704], sizes = [32, 256], strides = [1, 1]} : vector<128x12800xf32> to vector<32x256xf32>
    %slice3A_138 = vector.extract_strided_slice %transpose3A {offsets = [32, 8704], sizes = [32, 256], strides = [1, 1]} : vector<128x12800xf32> to vector<32x256xf32>
    %slice3A_139 = vector.extract_strided_slice %transpose3A {offsets = [64, 8704], sizes = [32, 256], strides = [1, 1]} : vector<128x12800xf32> to vector<32x256xf32>
    %slice3A_140 = vector.extract_strided_slice %transpose3A {offsets = [96, 8704], sizes = [32, 256], strides = [1, 1]} : vector<128x12800xf32> to vector<32x256xf32>
    %slice3A_141 = vector.extract_strided_slice %transpose3A {offsets = [0, 8960], sizes = [32, 256], strides = [1, 1]} : vector<128x12800xf32> to vector<32x256xf32>
    %slice3A_142 = vector.extract_strided_slice %transpose3A {offsets = [32, 8960], sizes = [32, 256], strides = [1, 1]} : vector<128x12800xf32> to vector<32x256xf32>
    %slice3A_143 = vector.extract_strided_slice %transpose3A {offsets = [64, 8960], sizes = [32, 256], strides = [1, 1]} : vector<128x12800xf32> to vector<32x256xf32>
    %slice3A_144 = vector.extract_strided_slice %transpose3A {offsets = [96, 8960], sizes = [32, 256], strides = [1, 1]} : vector<128x12800xf32> to vector<32x256xf32>
    %slice3A_145 = vector.extract_strided_slice %transpose3A {offsets = [0, 9216], sizes = [32, 256], strides = [1, 1]} : vector<128x12800xf32> to vector<32x256xf32>
    %slice3A_146 = vector.extract_strided_slice %transpose3A {offsets = [32, 9216], sizes = [32, 256], strides = [1, 1]} : vector<128x12800xf32> to vector<32x256xf32>
    %slice3A_147 = vector.extract_strided_slice %transpose3A {offsets = [64, 9216], sizes = [32, 256], strides = [1, 1]} : vector<128x12800xf32> to vector<32x256xf32>
    %slice3A_148 = vector.extract_strided_slice %transpose3A {offsets = [96, 9216], sizes = [32, 256], strides = [1, 1]} : vector<128x12800xf32> to vector<32x256xf32>
    %slice3A_149 = vector.extract_strided_slice %transpose3A {offsets = [0, 9472], sizes = [32, 256], strides = [1, 1]} : vector<128x12800xf32> to vector<32x256xf32>
    %slice3A_150 = vector.extract_strided_slice %transpose3A {offsets = [32, 9472], sizes = [32, 256], strides = [1, 1]} : vector<128x12800xf32> to vector<32x256xf32>
    %slice3A_151 = vector.extract_strided_slice %transpose3A {offsets = [64, 9472], sizes = [32, 256], strides = [1, 1]} : vector<128x12800xf32> to vector<32x256xf32>
    %slice3A_152 = vector.extract_strided_slice %transpose3A {offsets = [96, 9472], sizes = [32, 256], strides = [1, 1]} : vector<128x12800xf32> to vector<32x256xf32>
    %slice3A_153 = vector.extract_strided_slice %transpose3A {offsets = [0, 9728], sizes = [32, 256], strides = [1, 1]} : vector<128x12800xf32> to vector<32x256xf32>
    %slice3A_154 = vector.extract_strided_slice %transpose3A {offsets = [32, 9728], sizes = [32, 256], strides = [1, 1]} : vector<128x12800xf32> to vector<32x256xf32>
    %slice3A_155 = vector.extract_strided_slice %transpose3A {offsets = [64, 9728], sizes = [32, 256], strides = [1, 1]} : vector<128x12800xf32> to vector<32x256xf32>
    %slice3A_156 = vector.extract_strided_slice %transpose3A {offsets = [96, 9728], sizes = [32, 256], strides = [1, 1]} : vector<128x12800xf32> to vector<32x256xf32>
    %slice3A_157 = vector.extract_strided_slice %transpose3A {offsets = [0, 9984], sizes = [32, 256], strides = [1, 1]} : vector<128x12800xf32> to vector<32x256xf32>
    %slice3A_158 = vector.extract_strided_slice %transpose3A {offsets = [32, 9984], sizes = [32, 256], strides = [1, 1]} : vector<128x12800xf32> to vector<32x256xf32>
    %slice3A_159 = vector.extract_strided_slice %transpose3A {offsets = [64, 9984], sizes = [32, 256], strides = [1, 1]} : vector<128x12800xf32> to vector<32x256xf32>
    %slice3A_160 = vector.extract_strided_slice %transpose3A {offsets = [96, 9984], sizes = [32, 256], strides = [1, 1]} : vector<128x12800xf32> to vector<32x256xf32>
    %slice3A_161 = vector.extract_strided_slice %transpose3A {offsets = [0, 10240], sizes = [32, 256], strides = [1, 1]} : vector<128x12800xf32> to vector<32x256xf32>
    %slice3A_162 = vector.extract_strided_slice %transpose3A {offsets = [32, 10240], sizes = [32, 256], strides = [1, 1]} : vector<128x12800xf32> to vector<32x256xf32>
    %slice3A_163 = vector.extract_strided_slice %transpose3A {offsets = [64, 10240], sizes = [32, 256], strides = [1, 1]} : vector<128x12800xf32> to vector<32x256xf32>
    %slice3A_164 = vector.extract_strided_slice %transpose3A {offsets = [96, 10240], sizes = [32, 256], strides = [1, 1]} : vector<128x12800xf32> to vector<32x256xf32>
    %slice3A_165 = vector.extract_strided_slice %transpose3A {offsets = [0, 10496], sizes = [32, 256], strides = [1, 1]} : vector<128x12800xf32> to vector<32x256xf32>
    %slice3A_166 = vector.extract_strided_slice %transpose3A {offsets = [32, 10496], sizes = [32, 256], strides = [1, 1]} : vector<128x12800xf32> to vector<32x256xf32>
    %slice3A_167 = vector.extract_strided_slice %transpose3A {offsets = [64, 10496], sizes = [32, 256], strides = [1, 1]} : vector<128x12800xf32> to vector<32x256xf32>
    %slice3A_168 = vector.extract_strided_slice %transpose3A {offsets = [96, 10496], sizes = [32, 256], strides = [1, 1]} : vector<128x12800xf32> to vector<32x256xf32>
    %slice3A_169 = vector.extract_strided_slice %transpose3A {offsets = [0, 10752], sizes = [32, 256], strides = [1, 1]} : vector<128x12800xf32> to vector<32x256xf32>
    %slice3A_170 = vector.extract_strided_slice %transpose3A {offsets = [32, 10752], sizes = [32, 256], strides = [1, 1]} : vector<128x12800xf32> to vector<32x256xf32>
    %slice3A_171 = vector.extract_strided_slice %transpose3A {offsets = [64, 10752], sizes = [32, 256], strides = [1, 1]} : vector<128x12800xf32> to vector<32x256xf32>
    %slice3A_172 = vector.extract_strided_slice %transpose3A {offsets = [96, 10752], sizes = [32, 256], strides = [1, 1]} : vector<128x12800xf32> to vector<32x256xf32>
    %slice3A_173 = vector.extract_strided_slice %transpose3A {offsets = [0, 11008], sizes = [32, 256], strides = [1, 1]} : vector<128x12800xf32> to vector<32x256xf32>
    %slice3A_174 = vector.extract_strided_slice %transpose3A {offsets = [32, 11008], sizes = [32, 256], strides = [1, 1]} : vector<128x12800xf32> to vector<32x256xf32>
    %slice3A_175 = vector.extract_strided_slice %transpose3A {offsets = [64, 11008], sizes = [32, 256], strides = [1, 1]} : vector<128x12800xf32> to vector<32x256xf32>
    %slice3A_176 = vector.extract_strided_slice %transpose3A {offsets = [96, 11008], sizes = [32, 256], strides = [1, 1]} : vector<128x12800xf32> to vector<32x256xf32>
    %slice3A_177 = vector.extract_strided_slice %transpose3A {offsets = [0, 11264], sizes = [32, 256], strides = [1, 1]} : vector<128x12800xf32> to vector<32x256xf32>
    %slice3A_178 = vector.extract_strided_slice %transpose3A {offsets = [32, 11264], sizes = [32, 256], strides = [1, 1]} : vector<128x12800xf32> to vector<32x256xf32>
    %slice3A_179 = vector.extract_strided_slice %transpose3A {offsets = [64, 11264], sizes = [32, 256], strides = [1, 1]} : vector<128x12800xf32> to vector<32x256xf32>
    %slice3A_180 = vector.extract_strided_slice %transpose3A {offsets = [96, 11264], sizes = [32, 256], strides = [1, 1]} : vector<128x12800xf32> to vector<32x256xf32>
    %slice3A_181 = vector.extract_strided_slice %transpose3A {offsets = [0, 11520], sizes = [32, 256], strides = [1, 1]} : vector<128x12800xf32> to vector<32x256xf32>
    %slice3A_182 = vector.extract_strided_slice %transpose3A {offsets = [32, 11520], sizes = [32, 256], strides = [1, 1]} : vector<128x12800xf32> to vector<32x256xf32>
    %slice3A_183 = vector.extract_strided_slice %transpose3A {offsets = [64, 11520], sizes = [32, 256], strides = [1, 1]} : vector<128x12800xf32> to vector<32x256xf32>
    %slice3A_184 = vector.extract_strided_slice %transpose3A {offsets = [96, 11520], sizes = [32, 256], strides = [1, 1]} : vector<128x12800xf32> to vector<32x256xf32>
    %slice3A_185 = vector.extract_strided_slice %transpose3A {offsets = [0, 11776], sizes = [32, 256], strides = [1, 1]} : vector<128x12800xf32> to vector<32x256xf32>
    %slice3A_186 = vector.extract_strided_slice %transpose3A {offsets = [32, 11776], sizes = [32, 256], strides = [1, 1]} : vector<128x12800xf32> to vector<32x256xf32>
    %slice3A_187 = vector.extract_strided_slice %transpose3A {offsets = [64, 11776], sizes = [32, 256], strides = [1, 1]} : vector<128x12800xf32> to vector<32x256xf32>
    %slice3A_188 = vector.extract_strided_slice %transpose3A {offsets = [96, 11776], sizes = [32, 256], strides = [1, 1]} : vector<128x12800xf32> to vector<32x256xf32>
    %slice3A_189 = vector.extract_strided_slice %transpose3A {offsets = [0, 12032], sizes = [32, 256], strides = [1, 1]} : vector<128x12800xf32> to vector<32x256xf32>
    %slice3A_190 = vector.extract_strided_slice %transpose3A {offsets = [32, 12032], sizes = [32, 256], strides = [1, 1]} : vector<128x12800xf32> to vector<32x256xf32>
    %slice3A_191 = vector.extract_strided_slice %transpose3A {offsets = [64, 12032], sizes = [32, 256], strides = [1, 1]} : vector<128x12800xf32> to vector<32x256xf32>
    %slice3A_192 = vector.extract_strided_slice %transpose3A {offsets = [96, 12032], sizes = [32, 256], strides = [1, 1]} : vector<128x12800xf32> to vector<32x256xf32>
    %slice3A_193 = vector.extract_strided_slice %transpose3A {offsets = [0, 12288], sizes = [32, 256], strides = [1, 1]} : vector<128x12800xf32> to vector<32x256xf32>
    %slice3A_194 = vector.extract_strided_slice %transpose3A {offsets = [32, 12288], sizes = [32, 256], strides = [1, 1]} : vector<128x12800xf32> to vector<32x256xf32>
    %slice3A_195 = vector.extract_strided_slice %transpose3A {offsets = [64, 12288], sizes = [32, 256], strides = [1, 1]} : vector<128x12800xf32> to vector<32x256xf32>
    %slice3A_196 = vector.extract_strided_slice %transpose3A {offsets = [96, 12288], sizes = [32, 256], strides = [1, 1]} : vector<128x12800xf32> to vector<32x256xf32>
    %slice3A_197 = vector.extract_strided_slice %transpose3A {offsets = [0, 12544], sizes = [32, 256], strides = [1, 1]} : vector<128x12800xf32> to vector<32x256xf32>
    %slice3A_198 = vector.extract_strided_slice %transpose3A {offsets = [32, 12544], sizes = [32, 256], strides = [1, 1]} : vector<128x12800xf32> to vector<32x256xf32>
    %slice3A_199 = vector.extract_strided_slice %transpose3A {offsets = [64, 12544], sizes = [32, 256], strides = [1, 1]} : vector<128x12800xf32> to vector<32x256xf32>
    %slice3A_200 = vector.extract_strided_slice %transpose3A {offsets = [96, 12544], sizes = [32, 256], strides = [1, 1]} : vector<128x12800xf32> to vector<32x256xf32>
    %concatenate3A = tpu.concatenate %slice3A, %slice3A_2, %slice3A_3, %slice3A_4, %slice3A_5, %slice3A_6, %slice3A_7, %slice3A_8, %slice3A_9, %slice3A_10, %slice3A_11, %slice3A_12, %slice3A_13, %slice3A_14, %slice3A_15, %slice3A_16, %slice3A_17, %slice3A_18, %slice3A_19, %slice3A_20, %slice3A_21, %slice3A_22, %slice3A_23, %slice3A_24, %slice3A_25, %slice3A_26, %slice3A_27, %slice3A_28, %slice3A_29, %slice3A_30, %slice3A_31, %slice3A_32, %slice3A_33, %slice3A_34, %slice3A_35, %slice3A_36, %slice3A_37, %slice3A_38, %slice3A_39, %slice3A_40, %slice3A_41, %slice3A_42, %slice3A_43, %slice3A_44, %slice3A_45, %slice3A_46, %slice3A_47, %slice3A_48, %slice3A_49, %slice3A_50, %slice3A_51, %slice3A_52, %slice3A_53, %slice3A_54, %slice3A_55, %slice3A_56, %slice3A_57, %slice3A_58, %slice3A_59, %slice3A_60, %slice3A_61, %slice3A_62, %slice3A_63, %slice3A_64, %slice3A_65, %slice3A_66, %slice3A_67, %slice3A_68, %slice3A_69, %slice3A_70, %slice3A_71, %slice3A_72, %slice3A_73, %slice3A_74, %slice3A_75, %slice3A_76, %slice3A_77, %slice3A_78, %slice3A_79, %slice3A_80, %slice3A_81, %slice3A_82, %slice3A_83, %slice3A_84, %slice3A_85, %slice3A_86, %slice3A_87, %slice3A_88, %slice3A_89, %slice3A_90, %slice3A_91, %slice3A_92, %slice3A_93, %slice3A_94, %slice3A_95, %slice3A_96, %slice3A_97, %slice3A_98, %slice3A_99, %slice3A_100, %slice3A_101, %slice3A_102, %slice3A_103, %slice3A_104, %slice3A_105, %slice3A_106, %slice3A_107, %slice3A_108, %slice3A_109, %slice3A_110, %slice3A_111, %slice3A_112, %slice3A_113, %slice3A_114, %slice3A_115, %slice3A_116, %slice3A_117, %slice3A_118, %slice3A_119, %slice3A_120, %slice3A_121, %slice3A_122, %slice3A_123, %slice3A_124, %slice3A_125, %slice3A_126, %slice3A_127, %slice3A_128, %slice3A_129, %slice3A_130, %slice3A_131, %slice3A_132, %slice3A_133, %slice3A_134, %slice3A_135, %slice3A_136, %slice3A_137, %slice3A_138, %slice3A_139, %slice3A_140, %slice3A_141, %slice3A_142, %slice3A_143, %slice3A_144, %slice3A_145, %slice3A_146, %slice3A_147, %slice3A_148, %slice3A_149, %slice3A_150, %slice3A_151, %slice3A_152, %slice3A_153, %slice3A_154, %slice3A_155, %slice3A_156, %slice3A_157, %slice3A_158, %slice3A_159, %slice3A_160, %slice3A_161, %slice3A_162, %slice3A_163, %slice3A_164, %slice3A_165, %slice3A_166, %slice3A_167, %slice3A_168, %slice3A_169, %slice3A_170, %slice3A_171, %slice3A_172, %slice3A_173, %slice3A_174, %slice3A_175, %slice3A_176, %slice3A_177, %slice3A_178, %slice3A_179, %slice3A_180, %slice3A_181, %slice3A_182, %slice3A_183, %slice3A_184, %slice3A_185, %slice3A_186, %slice3A_187, %slice3A_188, %slice3A_189, %slice3A_190, %slice3A_191, %slice3A_192, %slice3A_193, %slice3A_194, %slice3A_195, %slice3A_196, %slice3A_197, %slice3A_198, %slice3A_199, %slice3A_200 in 1 : vector<32x256xf32>, vector<32x256xf32>, vector<32x256xf32>, vector<32x256xf32>, vector<32x256xf32>, vector<32x256xf32>, vector<32x256xf32>, vector<32x256xf32>, vector<32x256xf32>, vector<32x256xf32>, vector<32x256xf32>, vector<32x256xf32>, vector<32x256xf32>, vector<32x256xf32>, vector<32x256xf32>, vector<32x256xf32>, vector<32x256xf32>, vector<32x256xf32>, vector<32x256xf32>, vector<32x256xf32>, vector<32x256xf32>, vector<32x256xf32>, vector<32x256xf32>, vector<32x256xf32>, vector<32x256xf32>, vector<32x256xf32>, vector<32x256xf32>, vector<32x256xf32>, vector<32x256xf32>, vector<32x256xf32>, vector<32x256xf32>, vector<32x256xf32>, vector<32x256xf32>, vector<32x256xf32>, vector<32x256xf32>, vector<32x256xf32>, vector<32x256xf32>, vector<32x256xf32>, vector<32x256xf32>, vector<32x256xf32>, vector<32x256xf32>, vector<32x256xf32>, vector<32x256xf32>, vector<32x256xf32>, vector<32x256xf32>, vector<32x256xf32>, vector<32x256xf32>, vector<32x256xf32>, vector<32x256xf32>, vector<32x256xf32>, vector<32x256xf32>, vector<32x256xf32>, vector<32x256xf32>, vector<32x256xf32>, vector<32x256xf32>, vector<32x256xf32>, vector<32x256xf32>, vector<32x256xf32>, vector<32x256xf32>, vector<32x256xf32>, vector<32x256xf32>, vector<32x256xf32>, vector<32x256xf32>, vector<32x256xf32>, vector<32x256xf32>, vector<32x256xf32>, vector<32x256xf32>, vector<32x256xf32>, vector<32x256xf32>, vector<32x256xf32>, vector<32x256xf32>, vector<32x256xf32>, vector<32x256xf32>, vector<32x256xf32>, vector<32x256xf32>, vector<32x256xf32>, vector<32x256xf32>, vector<32x256xf32>, vector<32x256xf32>, vector<32x256xf32>, vector<32x256xf32>, vector<32x256xf32>, vector<32x256xf32>, vector<32x256xf32>, vector<32x256xf32>, vector<32x256xf32>, vector<32x256xf32>, vector<32x256xf32>, vector<32x256xf32>, vector<32x256xf32>, vector<32x256xf32>, vector<32x256xf32>, vector<32x256xf32>, vector<32x256xf32>, vector<32x256xf32>, vector<32x256xf32>, vector<32x256xf32>, vector<32x256xf32>, vector<32x256xf32>, vector<32x256xf32>, vector<32x256xf32>, vector<32x256xf32>, vector<32x256xf32>, vector<32x256xf32>, vector<32x256xf32>, vector<32x256xf32>, vector<32x256xf32>, vector<32x256xf32>, vector<32x256xf32>, vector<32x256xf32>, vector<32x256xf32>, vector<32x256xf32>, vector<32x256xf32>, vector<32x256xf32>, vector<32x256xf32>, vector<32x256xf32>, vector<32x256xf32>, vector<32x256xf32>, vector<32x256xf32>, vector<32x256xf32>, vector<32x256xf32>, vector<32x256xf32>, vector<32x256xf32>, vector<32x256xf32>, vector<32x256xf32>, vector<32x256xf32>, vector<32x256xf32>, vector<32x256xf32>, vector<32x256xf32>, vector<32x256xf32>, vector<32x256xf32>, vector<32x256xf32>, vector<32x256xf32>, vector<32x256xf32>, vector<32x256xf32>, vector<32x256xf32>, vector<32x256xf32>, vector<32x256xf32>, vector<32x256xf32>, vector<32x256xf32>, vector<32x256xf32>, vector<32x256xf32>, vector<32x256xf32>, vector<32x256xf32>, vector<32x256xf32>, vector<32x256xf32>, vector<32x256xf32>, vector<32x256xf32>, vector<32x256xf32>, vector<32x256xf32>, vector<32x256xf32>, vector<32x256xf32>, vector<32x256xf32>, vector<32x256xf32>, vector<32x256xf32>, vector<32x256xf32>, vector<32x256xf32>, vector<32x256xf32>, vector<32x256xf32>, vector<32x256xf32>, vector<32x256xf32>, vector<32x256xf32>, vector<32x256xf32>, vector<32x256xf32>, vector<32x256xf32>, vector<32x256xf32>, vector<32x256xf32>, vector<32x256xf32>, vector<32x256xf32>, vector<32x256xf32>, vector<32x256xf32>, vector<32x256xf32>, vector<32x256xf32>, vector<32x256xf32>, vector<32x256xf32>, vector<32x256xf32>, vector<32x256xf32>, vector<32x256xf32>, vector<32x256xf32>, vector<32x256xf32>, vector<32x256xf32>, vector<32x256xf32>, vector<32x256xf32>, vector<32x256xf32>, vector<32x256xf32>, vector<32x256xf32>, vector<32x256xf32>, vector<32x256xf32>, vector<32x256xf32>, vector<32x256xf32>, vector<32x256xf32>, vector<32x256xf32>, vector<32x256xf32>, vector<32x256xf32>, vector<32x256xf32>, vector<32x256xf32>, vector<32x256xf32>, vector<32x256xf32>, vector<32x256xf32>, vector<32x256xf32> -> vector<32x51200xf32>
    %swap3A = arith.constant 0 : index
    %swap3A_201 = arith.constant 0 : index
    %swap3A_202 = vector.load %arg2[%swap3A, %swap3A_201] : memref<32x51200xf32, #tpu.memory_space<vmem>>, vector<32x51200xf32>
    tpu.vector_store %arg2[%swap3A, %swap3A_201], %concatenate3A {strides = array<i32>} : memref<32x51200xf32, #tpu.memory_space<vmem>>, vector<32x51200xf32>,
    return
  }
  func.func @transform_0(%arg0: i32) -> (i32, i32) {
    %c0_i32 = arith.constant 0 : i32
    %c0_i32_0 = arith.constant 0 : i32
    return %arg0, %c0_i32 : i32, i32
  }
  func.func @transform_1(%arg0: i32) -> (i32, i32) {
    %c0_i32 = arith.constant 0 : i32
    %c0_i32_0 = arith.constant 0 : i32
    return %c0_i32, %arg0 : i32, i32
  }
}

module attributes {stable_mosaic.version = 14 : i64} {
  func.func @_tab_tr_body(%arg0: i32, %arg1: memref<32x2048xf32, #tpu.memory_space<vmem>>, %arg2: memref<32x2048xf32, #tpu.memory_space<vmem>>, %arg3: memref<32x2048xf32, #tpu.memory_space<vmem>>, %arg4: memref<32x2048xf32, #tpu.memory_space<vmem>>, %arg5: memref<144x128xf32, #tpu.memory_space<vmem>>, %arg6: memref<2048x128xf32, #tpu.memory_space<vmem>>) attributes {dimension_semantics = [#tpu.dimension_semantics<arbitrary>], iteration_bounds = array<i64: 123>, scalar_prefetch = 0 : i64, scratch_operands = 0 : i64, tpu.core_type = #tpu.core_type<tc>, window_params = [{transform_indices = @transform_0, window_bounds = array<i64: 32, 2048>}, {transform_indices = @transform_1, window_bounds = array<i64: 32, 2048>}, {transform_indices = @transform_2, window_bounds = array<i64: 32, 2048>}, {transform_indices = @transform_3, window_bounds = array<i64: 32, 2048>}, {pipeline_mode = #tpu.pipeline_mode<synchronous>, transform_indices = @transform_4, window_bounds = array<i64: 144, 128>}, {transform_indices = @transform_5, window_bounds = array<i64: 2048, 128>}]} {
    %ne3A = arith.constant 122 : i32
    %ne3A_0 = arith.cmpi ne, %arg0, %ne3A : i32
    %convert_element_type3A = arith.extui %ne3A_0 : i1 to i32
    %cond3A = arith.constant 0 : i32
    %cond3A_1 = arith.cmpi ne, %convert_element_type3A, %cond3A : i32
    scf.if %cond3A_1 {
      %get3A = arith.constant 0 : index
      %get3A_6 = arith.constant 0 : index
      %get3A_7 = vector.load %arg1[%get3A, %get3A_6] : memref<32x2048xf32, #tpu.memory_space<vmem>>, vector<32x2048xf32>
      %get3A_8 = arith.constant 0 : index
      %get3A_9 = arith.constant 0 : index
      %get3A_10 = vector.load %arg2[%get3A_8, %get3A_9] : memref<32x2048xf32, #tpu.memory_space<vmem>>, vector<32x2048xf32>
      %get3A_11 = arith.constant 0 : index
      %get3A_12 = arith.constant 0 : index
      %get3A_13 = vector.load %arg3[%get3A_11, %get3A_12] : memref<32x2048xf32, #tpu.memory_space<vmem>>, vector<32x2048xf32>
      %get3A_14 = arith.constant 0 : index
      %get3A_15 = arith.constant 0 : index
      %get3A_16 = vector.load %arg4[%get3A_14, %get3A_15] : memref<32x2048xf32, #tpu.memory_space<vmem>>, vector<32x2048xf32>
      %concatenate3A = tpu.concatenate %get3A_7, %get3A_10, %get3A_13, %get3A_16 in 0 : vector<32x2048xf32>, vector<32x2048xf32>, vector<32x2048xf32>, vector<32x2048xf32> -> vector<128x2048xf32>
      %transpose3A = tpu.transpose %concatenate3A, [1, 0] : vector<128x2048xf32> -> vector<2048x128xf32>
      %swap3A = arith.constant 0 : index
      %swap3A_17 = arith.constant 0 : index
      %swap3A_18 = vector.load %arg6[%swap3A, %swap3A_17] : memref<2048x128xf32, #tpu.memory_space<vmem>>, vector<2048x128xf32>
      tpu.vector_store %arg6[%swap3A, %swap3A_17], %transpose3A {strides = array<i32>} : memref<2048x128xf32, #tpu.memory_space<vmem>>, vector<2048x128xf32>,
    } else {
    }
    %eq3A = arith.constant 122 : i32
    %eq3A_2 = arith.cmpi eq, %arg0, %eq3A : i32
    %convert_element_type3A_3 = arith.extui %eq3A_2 : i1 to i32
    %cond3A_4 = arith.constant 0 : i32
    %cond3A_5 = arith.cmpi ne, %convert_element_type3A_3, %cond3A_4 : i32
    scf.if %cond3A_5 {
      %get3A = arith.constant 0 : index
      %get3A_6 = arith.constant 0 : index
      %get3A_7 = vector.load %arg5[%get3A, %get3A_6] : memref<144x128xf32, #tpu.memory_space<vmem>>, vector<144x128xf32>
      %swap3A = arith.constant 0 : index
      %swap3A_8 = arith.constant 0 : index
      %swap3A_9 = vector.load %arg6[%swap3A, %swap3A_8] : memref<2048x128xf32, #tpu.memory_space<vmem>>, vector<144x128xf32>
      tpu.vector_store %arg6[%swap3A, %swap3A_8], %get3A_7 {strides = array<i32>} : memref<2048x128xf32, #tpu.memory_space<vmem>>, vector<144x128xf32>,
    } else {
    }
    return
  }
  func.func @transform_0(%arg0: i32) -> (i32, i32) {
    %mul3A = arith.constant 4 : i32
    %mul3A_0 = arith.muli %mul3A, %arg0 : i32
    %add3A = arith.constant 0 : i32
    %add3A_1 = arith.addi %mul3A_0, %add3A : i32
    %min3A = arith.constant 487 : i32
    %min3A_2 = arith.minsi %add3A_1, %min3A : i32
    %c0_i32 = arith.constant 0 : i32
    %c0_i32_3 = arith.constant 0 : i32
    return %c0_i32, %min3A_2 : i32, i32
  }
  func.func @transform_1(%arg0: i32) -> (i32, i32) {
    %mul3A = arith.constant 4 : i32
    %mul3A_0 = arith.muli %mul3A, %arg0 : i32
    %add3A = arith.constant 1 : i32
    %add3A_1 = arith.addi %mul3A_0, %add3A : i32
    %min3A = arith.constant 487 : i32
    %min3A_2 = arith.minsi %add3A_1, %min3A : i32
    %c0_i32 = arith.constant 0 : i32
    %c0_i32_3 = arith.constant 0 : i32
    return %c0_i32, %min3A_2 : i32, i32
  }
  func.func @transform_2(%arg0: i32) -> (i32, i32) {
    %mul3A = arith.constant 4 : i32
    %mul3A_0 = arith.muli %mul3A, %arg0 : i32
    %add3A = arith.constant 2 : i32
    %add3A_1 = arith.addi %mul3A_0, %add3A : i32
    %min3A = arith.constant 487 : i32
    %min3A_2 = arith.minsi %add3A_1, %min3A : i32
    %c0_i32 = arith.constant 0 : i32
    %c0_i32_3 = arith.constant 0 : i32
    return %c0_i32, %min3A_2 : i32, i32
  }
  func.func @transform_3(%arg0: i32) -> (i32, i32) {
    %mul3A = arith.constant 4 : i32
    %mul3A_0 = arith.muli %mul3A, %arg0 : i32
    %add3A = arith.constant 3 : i32
    %add3A_1 = arith.addi %mul3A_0, %add3A : i32
    %min3A = arith.constant 487 : i32
    %min3A_2 = arith.minsi %add3A_1, %min3A : i32
    %c0_i32 = arith.constant 0 : i32
    %c0_i32_3 = arith.constant 0 : i32
    return %c0_i32, %min3A_2 : i32, i32
  }
  func.func @transform_4(%arg0: i32) -> (i32, i32) {
    %c0_i32 = arith.constant 0 : i32
    %c0_i32_0 = arith.constant 0 : i32
    %c0_i32_1 = arith.constant 0 : i32
    return %c0_i32, %c0_i32_0 : i32, i32
  }
  func.func @transform_5(%arg0: i32) -> (i32, i32) {
    %c0_i32 = arith.constant 0 : i32
    %c0_i32_0 = arith.constant 0 : i32
    return %arg0, %c0_i32 : i32, i32
  }
}

</mosaic_0001>

<sc_bundles>
// kernel: kernel.5.cloned.1.call-start
scs
__scs_entry_jumppad:
0x0: {  	(pc) =	sbr.rel $0x88, $3  }
0x1: {  	(tag) =	ssettag $0x0;
	lr =	simm.s32 $0x1  }
0x2: {  	[smem:$0x3F9F] =	sst lr;
	_ =	strace $0xD0000000  }
0x3: {  	_ = 	snop  }
0x4: {  	_ = 	snop  }
0x5: {  	_ = 	snop  }
0x6: {  	_ = 	snop  }
0x7: {  	_ = 	snop  }
__scs_overlays_trampoline_lowered:
0x8: {  	[smem:$0x3FAE] =	sst s0  }
0x9: {  	[smem:$0x3FAF] =	sst s1  }
0xa: {  	[smem:$0x3FB0] =	sst s2  }
0xb: {  	[smem:$0x3FB1] =	sst s3  }
0xc: {  	[smem:$0x3FB2] =	sst s4  }
0xd: {  	[smem:$0x3FB3] =	sst s5  }
0xe: {  	[smem:$0x3FB4] =	sst s6  }
0xf: {  	[smem:$0x3FB5] =	sst s7  }
0x10: {  	[smem:$0x3FB6] =	sst s8  }
0x11: {  	[smem:$0x3FB7] =	sst s9;
	s0 =	simm.s32 @!p0 $0x0  }
0x12: {  	s1 =	sld [smem:$0x3F9D];
	s0 =	simm.s32 @p0 $0x1  }
0x13: {  	[smem:$0x3FB8] =	sst s0;
	s0 =	simm.s32 @!p1 $0x0  }
0x14: {  	s2 =	sld [smem:$0x3F9C];
	s0 =	simm.s32 @p1 $0x1  }
0x15: {  	[smem:$0x3FB9] =	sst s0;
	s0 =	simm.s32 @!p2 $0x0  }
0x16: {  	s3 =	sld [smem:$0x3FDB];
	s0 =	simm.s32 @p2 $0x1  }
0x17: {  	s4 =	simm.s32 $0x1BF5;
	[smem:$0x3FBB] =	sst s0  }
0x18: {  	s0 =	sld [smem:$0x3F9E];
	_ =	swait.ge [sflag:s4], $0x0  }
0x19: {  	s7 =	sld [smem:$0x3F9F]  }
0x1a: {  	s8 =	sadd.s32 $0xFFFFE003, lr  }
0x1b: {  	s9 =	sadd.s32 $0xFFFFFEF7, lr;
	s5 =	simm.s32 $0xFFFFFFFF;
	p2 =	slt.u32 s8, $0xFFFFF086  }
0x1c: {  	p1 =	slt.u32 s9, $0xF7A;
	s5 =	simm.s32 @!p2 $0x0  }
0x1d: {  	s5 =	simm.s32 @p1 $0x1;
	p0 =	seq.s32 s7, s2  }
0x1e: {  	s7 =	smul.u32 @!p0 $0xF7A, s2;
	p2 =	seq.s32 @!p0 s5, $0x0  }
0x1f: {  	s9 =	smul.u32 $0xF7A, s1;
	s8 =	simm.s32 @!p0 $0x1BF5;
	p2 =	por !p2, p0  }
0x20: {  	[sflag:s8] =	ssyncset.s32 @!p0 $0xFFFFF086;
	s6 =	sadd.s32 @!p0 s3, s7;
	s7 =	simm.s32 @!p0 $0x108  }
0x21: {  	s3 =	sadd.s32 s3, s9;
	s6 =	sadd.s32 @!p0 $0x88, s6;
	s7 =	simm.s32 @p2 $0x1082  }
0x22: {  	[simem:s7], [sflag:s8] =	dma.local @!p0 [hbm:s6], $0xF7A  }
0x23: {  	s9 =	sor.u32 $0xD0000000, s2;
	s6 =	simm.s32 $0x108;
	_ =	swait.ge @!p0 [sflag:s8], $0x0  }
0x24: {  	s3 =	sadd.s32 $0x88, s3;
	s6 =	simm.s32 @!p1 $0x1082;
	[sflag:s4] =	ssyncset.s32 $0xFFFFF086  }
0x25: {  	[simem:s6], [sflag:s4] =	dma.local [hbm:s3], $0xF7A  }
0x26: {  	[smem:$0x3F9F] =	sst s1;
	(tag) =	ssettag s2;
	_ =	strace s9  }
0x27: {  	s1 =	sld [smem:$0x3FAF]  }
0x28: {  	s2 =	sld [smem:$0x3FB0]  }
0x29: {  	s4 =	sld [smem:$0x3FB2]  }
0x2a: {  	p0 =	seq.s32 s5, $0x0;
	s5 =	sld [smem:$0x3FB3]  }
0x2b: {  	s6 =	sld [smem:$0x3FB4]  }
0x2c: {  	s7 =	sld [smem:$0x3FB5]  }
0x2d: {  	s3 =	simm.s32 $0x108;
	s8 =	sld [smem:$0x3FB6]  }
0x2e: {  	s3 =	simm.s32 @!p0 $0x1082;
	s9 =	sld [smem:$0x3FB7]  }
0x2f: {  	lr =	sadd.s32 s0, s3;
	s0 =	sld [smem:$0x3FAE]  }
0x30: {  	s3 =	sld [smem:$0x3FB1]  }
0x31: {  	[smem:$0x3FBA] =	sst s10  }
0x32: {  	s10 =	sld [smem:$0x3FB8];
	_ =	sdelay $0x3  }
0x33: {  	p0 =	seq.s32 s10, $0x1;
	s10 =	sld [smem:$0x3FBA];
	_ =	sdelay $0x3  }
0x34: {  	[smem:$0x3FBA] =	sst s10  }
0x35: {  	s10 =	sld [smem:$0x3FB9];
	_ =	sdelay $0x3  }
0x36: {  	p1 =	seq.s32 s10, $0x1;
	s10 =	sld [smem:$0x3FBA];
	_ =	sdelay $0x3  }
0x37: {  	[smem:$0x3FBA] =	sst s10  }
0x38: {  	s10 =	sld [smem:$0x3FBB]  }
0x39: {  	_ = 	snop;
	(pc) =	sbr.ind lr, $3  }
0x3a: {  	_ = 	snop  }
0x3b: {  	_ = 	snop  }
0x3c: {  	p2 =	seq.s32 s10, $0x1;
	s10 =	sld [smem:$0x3FBA]  }
0x3d: {  	_ =	shalt  }
0x3e: {  	_ =	shalt  }
0x3f: {  	_ =	shalt  }
0x40: {  	_ =	shalt  }
0x41: {  	_ =	shalt  }
0x42: {  	_ =	shalt  }
0x43: {  	_ =	shalt  }
0x44: {  	_ =	shalt  }
0x45: {  	_ =	shalt  }
0x46: {  	_ =	shalt  }
0x47: {  	_ =	shalt  }
0x48: {  	_ =	shalt  }
0x49: {  	_ =	shalt  }
0x4a: {  	_ =	shalt  }
0x4b: {  	_ =	shalt  }
0x4c: {  	_ =	shalt  }
0x4d: {  	_ =	shalt  }
0x4e: {  	_ =	shalt  }
0x4f: {  	_ =	shalt  }
0x50: {  	_ =	shalt  }
0x51: {  	_ =	shalt  }
0x52: {  	_ =	shalt  }
0x53: {  	_ =	shalt  }
0x54: {  	_ =	shalt  }
0x55: {  	_ =	shalt  }
0x56: {  	_ =	shalt  }
0x57: {  	_ =	shalt  }
0x58: {  	_ =	shalt  }
0x59: {  	_ =	shalt  }
0x5a: {  	_ =	shalt  }
0x5b: {  	_ =	shalt  }
0x5c: {  	_ =	shalt  }
0x5d: {  	_ =	shalt  }
0x5e: {  	_ =	shalt  }
0x5f: {  	_ =	shalt  }
0x60: {  	_ =	shalt  }
0x61: {  	_ =	shalt  }
0x62: {  	_ =	shalt  }
0x63: {  	_ =	shalt  }
0x64: {  	_ =	shalt  }
0x65: {  	_ =	shalt  }
0x66: {  	_ =	shalt  }
0x67: {  	_ =	shalt  }
0x68: {  	_ =	shalt  }
0x69: {  	_ =	shalt  }
0x6a: {  	_ =	shalt  }
0x6b: {  	_ =	shalt  }
0x6c: {  	_ =	shalt  }
0x6d: {  	_ =	shalt  }
0x6e: {  	_ =	shalt  }
0x6f: {  	_ =	shalt  }
0x70: {  	_ =	shalt  }
0x71: {  	_ =	shalt  }
0x72: {  	_ =	shalt  }
0x73: {  	_ =	shalt  }
0x74: {  	_ =	shalt  }
0x75: {  	_ =	shalt  }
0x76: {  	_ =	shalt  }
0x77: {  	_ =	shalt  }
0x78: {  	_ =	shalt  }
0x79: {  	_ =	shalt  }
0x7a: {  	_ =	shalt  }
0x7b: {  	_ =	shalt  }
0x7c: {  	_ =	shalt  }
0x7d: {  	_ =	shalt  }
0x7e: {  	_ =	shalt  }
0x7f: {  	_ =	shalt  }
0x80: {  	_ =	shalt  }
0x81: {  	_ =	shalt  }
0x82: {  	_ =	shalt  }
0x83: {  	_ =	shalt  }
0x84: {  	_ =	shalt  }
0x85: {  	_ =	shalt  }
0x86: {  	_ =	shalt  }
0x87: {  	_ =	shalt  }
.Lfunc_end0:
.L_simem_size_0:
called_computation_lowered:
.L_overlay_start_0:
0x88: {  	s2 =	sld [smem:$0x3FD9]  }
0x89: {  	s3 =	sld [smem:$0x3FFE];
	_ =	sdelay $0x1  }
0x8a: {  	s1 =	srdreg.scid  }
0x8b: {  	s0 =	sand.u32 $0x1, s1  }
0x8c: {  	s17 =	sshll.u32 s0, $0xA;
	s2 =	sadd.s32 s3, s2  }
0x8d: {  	s2 =	sadd.s32 s2, s17  }
0x8e: {  	[smem:$0x3FC6] =	sst s2  }
0x8f: {  	_ = 	snop  }
0x90: {  	s2 =	sld [smem:$0x3FD0];
	(tm) =	ssettm $0x1  }
0x91: {  	s18 =	sld [smem:$0x3FFB];
	_ =	sdelay $0x3  }
0x92: {  	_ =	strace s18  }
0x93: {  	s3 =	sld [smem:$0x3FFC];
	_ =	sdelay $0x3  }
0x94: {  	_ =	strace s3  }
0x95: {  	s3 =	sld [smem:$0x3FFD];
	_ =	sdelay $0x3  }
0x96: {  	_ =	strace s3  }
0x97: {  	_ =	strace $0x8FFFFFFF  }
0x98: {  	s19 =	sld [smem:$0x3FDB];
	_ =	sdelay $0x1  }
0x99: {  	s4 =	simm.s32 $_scs_section_size  }
0x9a: {  	s5 =	simm.s32 $_size__tile_overlayer_lowered;
	s6 =	simm.s32 $_tile_overlayer_lowered  }
0x9b: {  	s22 =	simm.s32 $0x1BFF;
	s21 =	sshll.u32 s6, $0x1;
	s3 =	sadd.s32 s4, s19  }
0x9c: {  	s7 =	simm.s32 $0x0;
	s20 =	sshll.u32 s5, $0x1;
	s5 =	sadd.s32 s21, s3  }
0x9d: {  	[timem:s7], [sflag:s22] =	dma.local [hbm:s5], s20  }
0x9e: {  	_ =	swait.ge [sflag:s22], s20  }
0x9f: {  	s4 =	ssub.s32 $0x0, s20;
	[sflag:s22] =	ssyncset.done $0x0  }
0xa0: {  	[sflag:s22] =	ssyncadd.s32 s4;
	_ =	sdelay $0x1  }
0xa1: {  	s23 =	simm.s32 $0x1B8B  }
0xa2: {  	_ =	swait.ge [sflag:s23], $0x1  }
0xa3: {  	[sflag:s23] =	ssyncset.done $0x0  }
0xa4: {  	s25 =	simm.s32 $0x1B8E;
	s24 =	sld [smem:$0x3FFE];
	[sflag:s23] =	ssyncadd.s32 $0xFFFFFFFF  }
0xa5: {  	s26 =	simm.s32 $execute0_lowered;
	[smem:$0x3FD2] =	sst s25  }
0xa6: {  	s5 =	sshll.u32 s26, $0x1;
	_ =	strace $0x80000046;
	[dreg:$0x1] =	wrdreg $0xFFFFFFFF  }
0xa7: {  	s28 =	simm.s32 $_size_execute0_lowered;
	s3 =	sadd.s32 s3, s5;
	[dreg:$0x0] =	wrdreg $0x0  }
0xa8: {  	s5 =	sshll.u32 s28, $0x1;
	[dreg:$0x2] =	wrdreg s3  }
0xa9: {  	[dreg:$0x3] =	wrdreg s5  }
0xaa: {  	[dreg:$0x4] =	wrdreg $0xC0  }
0xab: {  	_ =	task [dreg:s7], $0x5FFFF  }
0xac: {  	[dreg:$0x1] =	wrdreg $0xFFFFFFFF  }
0xad: {  	[dreg:$0x0] =	wrdreg $0x60  }
0xae: {  	[dreg:$0x2] =	wrdreg s24  }
0xaf: {  	[dreg:$0x3] =	wrdreg s2  }
0xb0: {  	[dreg:$0x4] =	wrdreg $0x9  }
0xb1: {  	_ =	task.clear_ibuf [dreg:s7], $0x5FFFF;
	_ =	strace $0x90000046  }
0xb2: {  	s29 =	simm.s32 $0x9;
	_ =	strace $0x80000048  }
0xb3: {  	_ =	swait.ge [sflag:s29], $0x1  }
0xb4: {  	[sflag:s29] =	ssyncadd.s32 $0xFFFFFFFF  }
0xb5: {  	_ =	strace $0x90000048  }
0xb6: {  	_ =	sfence  }
0xb7: {  	s30 =	sld [smem:$0x0];
	_ =	sdelay $0x2  }
0xb8: {  	s31 =	sshll.u32 s1, $0xD;
	s1 =	sshrl.u32 s1, $0x2  }
0xb9: {  	s3 =	sand.u32 $0x4000, s31;
	s1 =	sadd.s32 s1, s30  }
0xba: {  	s0 =	sor.u32 s3, s0;
	s1 =	sshll.u32 s1, $0x11  }
0xbb: {  	s0 =	sor.u32 s1, s0  }
0xbc: {  	s0 =	sadd.s32 $0x8F2B, s0  }
0xbd: {  	[sflag:s0] =	ssyncadd.remote.s32 $0x1  }
0xbe: {  	_ =	sfence.sel $0xFFFF  }
0xbf: {  	[dreg:$0x0] =	wrdreg $0xFFFFFFFF;
	(pc) =	sbr.abs _section_cstart, $3  }
0xc0: {  	[dreg:$0x1] =	wrdreg $0xFFFFFFFF  }
0xc1: {  	_ =	task.clear_ibuf [dreg:s7], $0x2FFFF;
	_ =	strace $0x9FFFFFFF  }
0xc2: {  	(tm) =	ssettm $0x7FFFFFFF  }
0xc3: {  	_ =	shalt  }
tec
execute0_lowered:
.L_overlay_start_1:
0x0: {  	(tag) =	ssettag $0x1  }
0x1: {  	s0 =	rddreg [dreg:$0x0]  }
0x2: {  	s2 =	rddreg [dreg:$0x1]  }
0x3: {  	s4 =	srdreg.scid;
	s1 =	stileid.u32;
	s3 =	simm.s32 $0x0  }
0x4: {  	s16 =	simm.s32 $0x400;
	s17 =	simm.s32 $0x1;
	s18 =	simm.s32 $0x800  }
0x5: {  	s19 =	simm.s32 $0x1000;
	s20 =	simm.s32 $0x2;
	s21 =	simm.s32 $0x3  }
0x6: {  	s22 =	simm.s32 $0xC00;
	s23 =	simm.s32 $0x9000;
	s24 =	simm.s32 $0x4  }
0x7: {  	s25 =	simm.s32 $0x5;
	s7 =	sand.u32 $0x1, s4;
	s30 =	sshll.u32 s1, $0x1  }
0x8: {  	s26 =	simm.s32 $0x0;
	[smem:$0x7FF] =	sst s3;
	s8 =	sor.u32 s7, s30  }
0x9: {  	s5 =	sadd.s32 $0x400, s0;
	s31 =	ssub.s32 $0x2, s7;
	s4 =	smul.u32 $0xC800, s8  }
0xa: {  	s6 =	sadd.s32 $0x32400, s0;
	s7 =	sshrl.u32 s31, $0x1;
	s10 =	smul.u32 $0x32000, s8  }
0xb: {  	_ =	strace $0x80000047;
	s13 =	smul.u32 $0x190000, s8;
	s0 =	ssub.s32 s31, s7  }
0xc: {  	s12 =	sor.u32 $0x400, s4;
	s9 =	sshrl.u32 s4, $0x3;
	s10 =	sadd.s32 s6, s10  }
0xd: {  	s13 =	sshrl.u32 s13, $0x3;
	s15 =	smax.u32 s0, $0x1;
	s11 =	sshrl.u32 s12, $0x3  }
0xe: {  	v0 =	vlaneseq.u32;
	s7 =	sadd.s32 s5, s9;
	s12 =	sshll.u32 s12, $0x2;
	s14 =	sadd.s32 s6, s13  }
0xf: {  	v1 =	vand.u32 $0x3, v0;
	s8 =	sadd.s32 s5, s11;
	s9 =	sadd.s32 $0x100, s7;
	s11 =	sadd.s32 $0x180, s7  }
0x10: {  	v1 =	vmul.u32 $0x100, v1;
	s12 =	sadd.s32 s6, s12;
	s13 =	sadd.s32 $0x30000, s14;
	s14 =	sadd.s32 $0x31000, s14  }
.LBB2_1:
0x11: {  	v2 =	vor.u32 s3, v0  }
0x12: {  	[tilespmem:s3], [sflag:$0x1] =	stream.linear.gather [hbm4b:s7+s3], $0x400, $0x38;
	v2 =	vshrl.u32 v2, $0x2;
	[tilespmem:$0x11000] =	vst v63  }
0x13: {  	v2 =	vor.u32 v1, v2  }
0x14: {  	[tilespmem:s16], [sflag:$0x2] =	stream.linear.gather [hbm4b:s8+s3], $0x400, $0x38;
	[tilespmem:$0x11000] =	vst v63  }
0x15: {  	_ =	swait.ge [sflag:s17], $0x400  }
0x16: {  	s0 =	simm.s32 $0x10;
	[sflag:s17] =	ssyncset.done $0x0  }
0x17: {  	v3 =	vor.u32 s0, v0;
	[sflag:s17] =	ssyncadd.s32 $0xFFFFFC00  }
0x18: {  	v3 =	vshrl.u32 v3, $0x2;
	v2 =	vld.idx.msk [tilespmem:v2+s3+$0x0], $0xffff  }
0x19: {  	v4 =	vor.u32 v1, v3;
	_ =	sdelay $0x3  }
0x1a: {  	s31 =	simm.s32 $0x20;
	[tilespmem:s18+$0x0] =	vst v2  }
0x1b: {  	s29 =	simm.s32 $0x30;
	s28 =	simm.s32 $0x800;
	v3 =	vor.u32 s31, v0;
	v2 =	vld.idx.msk [tilespmem:v4+s3+$0x0], $0xffff  }
.LBB2_2:
0x1c: {  	p0 =	sne.s32 s29, $0x3F0;
	v3 =	vshrl.u32 v3, $0x2  }
0x1d: {  	v4 =	vor.u32 v1, v3  }
.Ltmp0:
0x1e: {  	(pc) =	sbr.rel @p0 .LBB2_2-.Ltmp0, $4  }
0x1f: {  	_ = 	snop  }
0x20: {  	s28 =	sadd.s32 $0x10, s28  }
0x21: {  	[tilespmem:s28+$0x0] =	vst v2  }
0x22: {  	v3 =	vor.u32 s29, v0;
	s29 =	sadd.s32 $0x10, s29;
	v2 =	vld.idx.msk [tilespmem:v4+s3+$0x0], $0xffff  }
0x23: {  	v3 =	vshrl.u32 v3, $0x2  }
0x24: {  	v3 =	vor.u32 v1, v3;
	_ =	sdelay $0x2  }
0x25: {  	s0 =	sadd.s32 $0x10, s28  }
0x26: {  	[tilespmem:s0+$0x0] =	vst v2  }
0x27: {  	v2 =	vld.idx.msk [tilespmem:v3+s3+$0x0], $0xffff;
	_ =	sdelay $0x3  }
0x28: {  	s28 =	simm.s32 $0x0;
	s0 =	sadd.s32 $0x10, s0  }
0x29: {  	[tilespmem:s0+$0x0] =	vst v2;
	v2 =	vor.u32 s28, v0  }
0x2a: {  	[tilespmem:s19], [sflag:$0x3] =	stream.indirect.gather [hbm4b:s2+s16], $0x20, s18, s16, $0xb8;
	v2 =	vshrl.u32 v2, $0x2;
	[tilespmem:$0x11000] =	vst v63  }
0x2b: {  	v2 =	vor.u32 v1, v2  }
0x2c: {  	[tilespmem:s28], [sflag:$0x1] =	stream.linear.gather [hbm4b:s9+s28], $0x400, $0x38;
	[tilespmem:$0x11000] =	vst v63  }
0x2d: {  	_ =	swait.ge [sflag:s20], $0x400  }
0x2e: {  	s30 =	simm.s32 $0x10;
	[sflag:s20] =	ssyncset.done $0x0  }
0x2f: {  	v3 =	vor.u32 s30, v0;
	[sflag:s20] =	ssyncadd.s32 $0xFFFFFC00  }
0x30: {  	v3 =	vshrl.u32 v3, $0x2;
	v2 =	vld.idx.msk [tilespmem:v2+s16+$0x0], $0xffff  }
0x31: {  	v4 =	vor.u32 v1, v3;
	_ =	sdelay $0x2  }
0x32: {  	s28 =	simm.s32 $0xC00  }
0x33: {  	s31 =	simm.s32 $0x20;
	[tilespmem:s28+$0x0] =	vst v2  }
0x34: {  	s29 =	simm.s32 $0x30;
	v3 =	vor.u32 s31, v0;
	v2 =	vld.idx.msk [tilespmem:v4+s16+$0x0], $0xffff  }
.LBB2_4:
0x35: {  	p0 =	sne.s32 s29, $0x3F0;
	v3 =	vshrl.u32 v3, $0x2  }
0x36: {  	v4 =	vor.u32 v1, v3  }
.Ltmp1:
0x37: {  	(pc) =	sbr.rel @p0 .LBB2_4-.Ltmp1, $4  }
0x38: {  	_ = 	snop  }
0x39: {  	s28 =	sadd.s32 $0x10, s28  }
0x3a: {  	[tilespmem:s28+$0x0] =	vst v2  }
0x3b: {  	v3 =	vor.u32 s29, v0;
	s29 =	sadd.s32 $0x10, s29;
	v2 =	vld.idx.msk [tilespmem:v4+s16+$0x0], $0xffff  }
0x3c: {  	v3 =	vshrl.u32 v3, $0x2  }
0x3d: {  	v3 =	vor.u32 v1, v3;
	_ =	sdelay $0x2  }
0x3e: {  	s0 =	sadd.s32 $0x10, s28  }
0x3f: {  	[tilespmem:s0+$0x0] =	vst v2  }
0x40: {  	v2 =	vld.idx.msk [tilespmem:v3+s16+$0x0], $0xffff;
	_ =	sdelay $0x3  }
0x41: {  	s0 =	sadd.s32 $0x10, s0  }
0x42: {  	[tilespmem:s0+$0x0] =	vst v2  }
0x43: {  	_ =	swait.ge [sflag:s21], $0x8000  }
0x44: {  	[sflag:s21] =	ssyncset.done $0x0  }
0x45: {  	s1 =	simm.s32 $0x0;
	[sflag:s21] =	ssyncadd.s32 $0xFFFF8000  }
0x46: {  	[hbm4b:s10+s1] =	stream.linear.scatter [tilespmem:s19], [sflag:$0x4], $0x8000, $0x38;
	[tilespmem:$0x11000] =	vst v63  }
0x47: {  	v2 =	vor.u32 s1, v0  }
0x48: {  	v2 =	vshrl.u32 v2, $0x2;
	[tilespmem:s23], [sflag:$0x3] =	stream.indirect.gather [hbm4b:s2+s16], $0x20, s22, s16, $0xb8;
	[tilespmem:$0x11000] =	vst v63  }
0x49: {  	v2 =	vor.u32 v1, v2  }
0x4a: {  	[tilespmem:s16], [sflag:$0x2] =	stream.linear.gather [hbm4b:s11+s1], $0x400, $0x38;
	[tilespmem:$0x11000] =	vst v63  }
0x4b: {  	_ =	swait.ge [sflag:s17], $0x400  }
0x4c: {  	s30 =	simm.s32 $0x10;
	[sflag:s17] =	ssyncset.done $0x0  }
0x4d: {  	v3 =	vor.u32 s30, v0;
	[sflag:s17] =	ssyncadd.s32 $0xFFFFFC00  }
0x4e: {  	v3 =	vshrl.u32 v3, $0x2;
	v2 =	vld.idx.msk [tilespmem:v2+s3+$0x0], $0xffff  }
0x4f: {  	v4 =	vor.u32 v1, v3;
	_ =	sdelay $0x2  }
0x50: {  	s28 =	simm.s32 $0x800  }
0x51: {  	s31 =	simm.s32 $0x20;
	[tilespmem:s28+$0x0] =	vst v2  }
0x52: {  	s29 =	simm.s32 $0x30;
	v3 =	vor.u32 s31, v0;
	v2 =	vld.idx.msk [tilespmem:v4+s3+$0x0], $0xffff  }
.LBB2_6:
0x53: {  	p0 =	sne.s32 s29, $0x3F0;
	v3 =	vshrl.u32 v3, $0x2  }
0x54: {  	v4 =	vor.u32 v1, v3  }
.Ltmp2:
0x55: {  	(pc) =	sbr.rel @p0 .LBB2_6-.Ltmp2, $4  }
0x56: {  	_ = 	snop  }
0x57: {  	s28 =	sadd.s32 $0x10, s28  }
0x58: {  	[tilespmem:s28+$0x0] =	vst v2  }
0x59: {  	v3 =	vor.u32 s29, v0;
	s29 =	sadd.s32 $0x10, s29;
	v2 =	vld.idx.msk [tilespmem:v4+s3+$0x0], $0xffff  }
0x5a: {  	v3 =	vshrl.u32 v3, $0x2  }
0x5b: {  	v3 =	vor.u32 v1, v3;
	_ =	sdelay $0x2  }
0x5c: {  	s0 =	sadd.s32 $0x10, s28  }
0x5d: {  	[tilespmem:s0+$0x0] =	vst v2  }
0x5e: {  	v2 =	vld.idx.msk [tilespmem:v3+s3+$0x0], $0xffff;
	_ =	sdelay $0x3  }
0x5f: {  	s0 =	sadd.s32 $0x10, s0  }
0x60: {  	[tilespmem:s0+$0x0] =	vst v2  }
0x61: {  	_ =	swait.ge [sflag:s21], $0x8000  }
0x62: {  	[sflag:s21] =	ssyncset.done $0x0  }
0x63: {  	s28 =	simm.s32 $0x1;
	[sflag:s21] =	ssyncadd.s32 $0xFFFF8000  }
0x64: {  	[hbm4b:s12+s3] =	stream.linear.scatter [tilespmem:s23], [sflag:$0x5], $0x8000, $0x38;
	[tilespmem:$0x11000] =	vst v63  }
.LBB2_8:
0x65: {  	_ =	swait.ge [sflag:s24], $0x8000;
	s29 =	sshll.u32 s28, $0xB  }
0x66: {  	[sflag:s24] =	ssyncset.done $0x0;
	s0 =	sadd.s32 s4, s29  }
0x67: {  	s30 =	simm.s32 $0x0;
	[sflag:s24] =	ssyncadd.s32 $0xFFFF8000;
	s31 =	sshrl.u32 s0, $0x3  }
0x68: {  	v2 =	vor.u32 s30, v0;
	[tilespmem:s19], [sflag:$0x3] =	stream.indirect.gather [hbm4b:s2+s16], $0x20, s18, s16, $0xb8;
	[tilespmem:$0x11000] =	vst v63  }
0x69: {  	v2 =	vshrl.u32 v2, $0x2;
	s31 =	sadd.s32 s5, s31  }
0x6a: {  	v2 =	vor.u32 v1, v2;
	s31 =	sadd.s32 $0x100, s31  }
0x6b: {  	[tilespmem:s30], [sflag:$0x1] =	stream.linear.gather [hbm4b:s31+s30], $0x400, $0x38;
	[tilespmem:$0x11000] =	vst v63  }
0x6c: {  	_ =	swait.ge [sflag:s20], $0x400  }
0x6d: {  	s30 =	simm.s32 $0x10;
	[sflag:s20] =	ssyncset.done $0x0  }
0x6e: {  	v3 =	vor.u32 s30, v0;
	[sflag:s20] =	ssyncadd.s32 $0xFFFFFC00  }
0x6f: {  	v3 =	vshrl.u32 v3, $0x2;
	v2 =	vld.idx.msk [tilespmem:v2+s16+$0x0], $0xffff  }
0x70: {  	v4 =	vor.u32 v1, v3;
	_ =	sdelay $0x2  }
0x71: {  	s0 =	sshll.u32 s0, $0x2;
	s31 =	simm.s32 $0xC00  }
0x72: {  	s1 =	simm.s32 $0x20;
	s0 =	sand.u32 $0x1FFFE000, s0;
	[tilespmem:s31+$0x0] =	vst v2  }
0x73: {  	s30 =	sadd.s32 s6, s0;
	s0 =	simm.s32 $0x30;
	v3 =	vor.u32 s1, v0;
	v2 =	vld.idx.msk [tilespmem:v4+s16+$0x0], $0xffff  }
.LBB2_9:
0x74: {  	p0 =	sne.s32 s0, $0x3F0;
	v3 =	vshrl.u32 v3, $0x2  }
0x75: {  	v4 =	vor.u32 v1, v3  }
.Ltmp3:
0x76: {  	(pc) =	sbr.rel @p0 .LBB2_9-.Ltmp3, $4  }
0x77: {  	_ = 	snop  }
0x78: {  	s31 =	sadd.s32 $0x10, s31  }
0x79: {  	[tilespmem:s31+$0x0] =	vst v2  }
0x7a: {  	v3 =	vor.u32 s0, v0;
	s0 =	sadd.s32 $0x10, s0;
	v2 =	vld.idx.msk [tilespmem:v4+s16+$0x0], $0xffff  }
0x7b: {  	v3 =	vshrl.u32 v3, $0x2  }
0x7c: {  	v3 =	vor.u32 v1, v3;
	_ =	sdelay $0x2  }
0x7d: {  	s0 =	sadd.s32 $0x10, s31  }
0x7e: {  	[tilespmem:s0+$0x0] =	vst v2  }
0x7f: {  	v2 =	vld.idx.msk [tilespmem:v3+s16+$0x0], $0xffff;
	_ =	sdelay $0x3  }
0x80: {  	s0 =	sadd.s32 $0x10, s0  }
0x81: {  	[tilespmem:s0+$0x0] =	vst v2  }
0x82: {  	_ =	swait.ge [sflag:s21], $0x8000  }
0x83: {  	[sflag:s21] =	ssyncset.done $0x0  }
0x84: {  	s31 =	simm.s32 $0x0;
	s1 =	sadd.s32 s29, s4;
	[sflag:s21] =	ssyncadd.s32 $0xFFFF8000  }
0x85: {  	[hbm4b:s30+s31] =	stream.linear.scatter [tilespmem:s19], [sflag:$0x4], $0x8000, $0x38;
	[tilespmem:$0x11000] =	vst v63  }
0x86: {  	s1 =	sadd.s32 $0x400, s1;
	_ =	swait.ge [sflag:s25], $0x8000  }
0x87: {  	s29 =	sshrl.u32 s1, $0x3;
	[sflag:s25] =	ssyncset.done $0x0  }
0x88: {  	s29 =	sadd.s32 s5, s29;
	v2 =	vor.u32 s31, v0;
	[sflag:s25] =	ssyncadd.s32 $0xFFFF8000  }
0x89: {  	v2 =	vshrl.u32 v2, $0x2;
	[tilespmem:s23], [sflag:$0x3] =	stream.indirect.gather [hbm4b:s2+s16], $0x20, s22, s16, $0xb8;
	[tilespmem:$0x11000] =	vst v63  }
0x8a: {  	s29 =	sadd.s32 $0x100, s29;
	v2 =	vor.u32 v1, v2  }
0x8b: {  	[tilespmem:s16], [sflag:$0x2] =	stream.linear.gather [hbm4b:s29+s31], $0x400, $0x38;
	[tilespmem:$0x11000] =	vst v63  }
0x8c: {  	_ =	swait.ge [sflag:s17], $0x400  }
0x8d: {  	s31 =	simm.s32 $0x10;
	[sflag:s17] =	ssyncset.done $0x0  }
0x8e: {  	v3 =	vor.u32 s31, v0;
	[sflag:s17] =	ssyncadd.s32 $0xFFFFFC00  }
0x8f: {  	v3 =	vshrl.u32 v3, $0x2;
	v2 =	vld.idx.msk [tilespmem:v2+s3+$0x0], $0xffff  }
0x90: {  	v4 =	vor.u32 v1, v3;
	_ =	sdelay $0x2  }
0x91: {  	s1 =	sshll.u32 s1, $0x2;
	s30 =	simm.s32 $0x800  }
0x92: {  	s0 =	sand.u32 $0x1FFFF000, s1;
	s31 =	simm.s32 $0x20;
	[tilespmem:s30+$0x0] =	vst v2  }
0x93: {  	s29 =	sadd.s32 s6, s0;
	s0 =	simm.s32 $0x30;
	v3 =	vor.u32 s31, v0;
	v2 =	vld.idx.msk [tilespmem:v4+s3+$0x0], $0xffff  }
.LBB2_11:
0x94: {  	p0 =	sne.s32 s0, $0x3F0;
	v3 =	vshrl.u32 v3, $0x2  }
0x95: {  	v4 =	vor.u32 v1, v3  }
.Ltmp4:
0x96: {  	(pc) =	sbr.rel @p0 .LBB2_11-.Ltmp4, $4  }
0x97: {  	_ = 	snop  }
0x98: {  	s30 =	sadd.s32 $0x10, s30  }
0x99: {  	[tilespmem:s30+$0x0] =	vst v2  }
0x9a: {  	v3 =	vor.u32 s0, v0;
	s0 =	sadd.s32 $0x10, s0;
	v2 =	vld.idx.msk [tilespmem:v4+s3+$0x0], $0xffff  }
0x9b: {  	v3 =	vshrl.u32 v3, $0x2  }
0x9c: {  	v3 =	vor.u32 v1, v3;
	_ =	sdelay $0x2  }
0x9d: {  	s0 =	sadd.s32 $0x10, s30  }
0x9e: {  	[tilespmem:s0+$0x0] =	vst v2  }
0x9f: {  	v2 =	vld.idx.msk [tilespmem:v3+s3+$0x0], $0xffff;
	_ =	sdelay $0x2  }
0xa0: {  	s28 =	sadd.s32 $0x1, s28  }
0xa1: {  	p0 =	sne.s32 s28, $0x18;
	s0 =	sadd.s32 $0x10, s0  }
.Ltmp5:
0xa2: {  	[tilespmem:s0+$0x0] =	vst v2;
	(pc) =	sbr.rel @p0 .LBB2_8-.Ltmp5, $4  }
0xa3: {  	_ =	swait.ge [sflag:s21], $0x8000  }
0xa4: {  	[sflag:s21] =	ssyncset.done $0x0  }
0xa5: {  	[sflag:s21] =	ssyncadd.s32 $0xFFFF8000  }
0xa6: {  	[hbm4b:s29+s3] =	stream.linear.scatter [tilespmem:s23], [sflag:$0x5], $0x8000, $0x38;
	[tilespmem:$0x11000] =	vst v63  }
0xa7: {  	s0 =	simm.s32 $0x0  }
0xa8: {  	_ =	swait.ge [sflag:s24], $0x8000;
	v2 =	vor.u32 s0, v0  }
0xa9: {  	[sflag:s24] =	ssyncset.done $0x0;
	v2 =	vshrl.u32 v2, $0x2  }
0xaa: {  	[sflag:s24] =	ssyncadd.s32 $0xFFFF8000;
	v2 =	vor.u32 v1, v2  }
0xab: {  	[tilespmem:s19], [sflag:$0x3] =	stream.indirect.gather [hbm4b:s2+s16], $0x20, s18, s16, $0xb8;
	[tilespmem:$0x11000] =	vst v63  }
0xac: {  	_ =	swait.ge [sflag:s20], $0x400  }
0xad: {  	s30 =	simm.s32 $0x10;
	[sflag:s20] =	ssyncset.done $0x0  }
0xae: {  	v3 =	vor.u32 s30, v0;
	[sflag:s20] =	ssyncadd.s32 $0xFFFFFC00  }
0xaf: {  	v3 =	vshrl.u32 v3, $0x2;
	v2 =	vld.idx.msk [tilespmem:v2+s16+$0x0], $0xffff  }
0xb0: {  	v4 =	vor.u32 v1, v3;
	_ =	sdelay $0x2  }
0xb1: {  	s28 =	simm.s32 $0xC00  }
0xb2: {  	s31 =	simm.s32 $0x20;
	[tilespmem:s28+$0x0] =	vst v2  }
0xb3: {  	s0 =	simm.s32 $0x30;
	v3 =	vor.u32 s31, v0;
	v2 =	vld.idx.msk [tilespmem:v4+s16+$0x0], $0xffff  }
.LBB2_14:
0xb4: {  	p0 =	sne.s32 s0, $0x3F0;
	v3 =	vshrl.u32 v3, $0x2  }
0xb5: {  	v4 =	vor.u32 v1, v3  }
.Ltmp6:
0xb6: {  	(pc) =	sbr.rel @p0 .LBB2_14-.Ltmp6, $4  }
0xb7: {  	_ = 	snop  }
0xb8: {  	s28 =	sadd.s32 $0x10, s28  }
0xb9: {  	[tilespmem:s28+$0x0] =	vst v2  }
0xba: {  	v3 =	vor.u32 s0, v0;
	s0 =	sadd.s32 $0x10, s0;
	v2 =	vld.idx.msk [tilespmem:v4+s16+$0x0], $0xffff  }
0xbb: {  	v3 =	vshrl.u32 v3, $0x2  }
0xbc: {  	v3 =	vor.u32 v1, v3;
	_ =	sdelay $0x2  }
0xbd: {  	s0 =	sadd.s32 $0x10, s28  }
0xbe: {  	[tilespmem:s0+$0x0] =	vst v2  }
0xbf: {  	v2 =	vld.idx.msk [tilespmem:v3+s16+$0x0], $0xffff;
	_ =	sdelay $0x3  }
0xc0: {  	s0 =	sadd.s32 $0x10, s0  }
0xc1: {  	[tilespmem:s0+$0x0] =	vst v2  }
0xc2: {  	_ =	swait.ge [sflag:s21], $0x8000  }
0xc3: {  	[sflag:s21] =	ssyncset.done $0x0  }
0xc4: {  	[sflag:s21] =	ssyncadd.s32 $0xFFFF8000  }
0xc5: {  	[hbm4b:s13+s3] =	stream.linear.scatter [tilespmem:s19], [sflag:$0x4], $0x8000, $0x38;
	[tilespmem:$0x11000] =	vst v63  }
0xc6: {  	_ =	swait.ge [sflag:s25], $0x8000  }
0xc7: {  	[sflag:s25] =	ssyncset.done $0x0  }
0xc8: {  	[sflag:s25] =	ssyncadd.s32 $0xFFFF8000  }
0xc9: {  	[tilespmem:s23], [sflag:$0x3] =	stream.indirect.gather [hbm4b:s2+s16], $0x20, s22, s16, $0xb8;
	[tilespmem:$0x11000] =	vst v63  }
0xca: {  	_ =	swait.ge [sflag:s21], $0x8000  }
0xcb: {  	[sflag:s21] =	ssyncset.done $0x0  }
0xcc: {  	s26 =	sadd.s32 $0x1, s26;
	[sflag:s21] =	ssyncadd.s32 $0xFFFF8000  }
0xcd: {  	[hbm4b:s14+s3] =	stream.linear.scatter [tilespmem:s23], [sflag:$0x5], $0x8000, $0x38;
	[tilespmem:$0x11000] =	vst v63  }
0xce: {  	p0 =	sne.s32 s26, s15;
	_ =	swait.ge [sflag:s24], $0x8000  }
.Ltmp7:
0xcf: {  	[sflag:s24] =	ssyncset.done $0x0;
	(pc) =	sbr.rel @p0 .LBB2_1-.Ltmp7, $4  }
0xd0: {  	[sflag:s24] =	ssyncadd.s32 $0xFFFF8000  }
0xd1: {  	_ =	swait.ge [sflag:s25], $0x8000  }
0xd2: {  	[sflag:s25] =	ssyncset.done $0x0  }
0xd3: {  	[sflag:s25] =	ssyncadd.s32 $0xFFFF8000  }
0xd4: {  	_ =	sfence.sel $0x180000  }
0xd5: {  	[bflag:$0x0] =	sbarrier.arrive $0xFFFF  }
0xd6: {  	_ =	strace $0x90000047  }
0xd7: {  	s0 =	stileid.u32;
	[bflag:$0x2] =	sbarrier.arrive $0xFFFF  }
0xd8: {  	p0 =	sne.s32 s0, $0x0;
	s0 =	rddreg [dreg:$0x2]  }
0xd9: {  	s0 =	sadd.s32 @!p0 $0x100000, s0  }
0xda: {  	[sflag:s0] =	ssyncadd.tile.s32 @!p0 $0x1;
	_ =	shalt  }
.Lfunc_end2:
_tile_overlayer_lowered:
.L_overlay_start_2:
0xdb: {  	(tag) =	ssettag $0x2  }
0xdc: {  	s0 =	rddreg [dreg:$0x0];
	s2 =	stileid.u32  }
0xdd: {  	s1 =	rddreg [dreg:$0x1];
	p0 =	sne.s32 s2, $0x0  }
0xde: {  	s3 =	rddreg [dreg:$0x2];
	[bflag:$0x3] =	sbarrier.arrive $0xFFFF;
	s2 =	simm.s32 @!p0 $0x1C06  }
0xdf: {  	[timem:s3], [sflag:s2] =	dma.local @!p0 [hbm:s0], s1  }
0xe0: {  	s0 =	simm.s32 @!p0 $0x6  }
0xe1: {  	_ =	swait.ge @!p0 [sflag:s0], s1  }
0xe2: {  	s1 =	ssub.s32 @!p0 $0x0, s1;
	[sflag:s0] =	ssyncset.done @!p0 $0x0  }
0xe3: {  	[sflag:s0] =	ssyncadd.s32 @!p0 s1  }
0xe4: {  	[bflag:$0x3] =	sbarrier.arrive $0xFFFF  }
0xe5: {  	_ =	shalt  }

</sc_bundles>
